<compile_context>
chip_gen: v7x
topology: tpu7x:2x2x1
jax: 0.10.2.dev20260603
libtpu: 0.0.44.dev20260713+nightly
codegen_flags: <defaults>
</compile_context>

<pallas_src>
import functools

import jax
import jax.numpy as jnp
from jax import lax
from jax.experimental import pallas as pl
from jax.experimental.pallas import tpu as pltpu
from jax.experimental.pallas import tpu_sc as plsc

N = 10000
E = 320000
D = 128

NC = 2
NS = 16
NW = NC * NS

CHUNK = 128
CPT = 80
EPT = CPT * CHUNK
E_PAD = NW * EPT
NB = 4

AGG_PAD = 10240
AGG_TILE = AGG_PAD // NS
DEG_PAD = 10240
DEG_TILE = DEG_PAD // NS

R = 2000
G = N // R


def _mesh():
    return plsc.VectorSubcoreMesh(core_axis_name="c", subcore_axis_name="s")



@functools.partial(
    pl.kernel,
    out_type=jax.ShapeDtypeStruct((NC, DEG_PAD), jnp.float32),
    mesh=_mesh(),
    scratch_types=[
        pltpu.VMEM((CPT, CHUNK), jnp.int32),
        pltpu.VMEM((CHUNK,), jnp.float32),
        pltpu.VMEM_SHARED((DEG_PAD,), jnp.float32),
    ],
)
def _deg_sc(dst_hbm, z_hbm, ones_hbm, out_hbm, dst_v, ones_v, acc_sh):
    cid = lax.axis_index("c")
    sid = lax.axis_index("s")
    wid = cid * NS + sid
    pltpu.sync_copy(dst_hbm.at[pl.ds(wid * CPT, CPT)], dst_v)
    pltpu.sync_copy(ones_hbm, ones_v)
    pltpu.sync_copy(z_hbm.at[pl.ds(sid * DEG_TILE, DEG_TILE)],
                    acc_sh.at[pl.ds(sid * DEG_TILE, DEG_TILE)])
    plsc.subcore_barrier()

    def body(j, carry):
        pltpu.sync_copy(ones_v, acc_sh.at[dst_v.at[j]], add=True)
        return carry

    lax.fori_loop(0, CPT, body, 0)
    plsc.subcore_barrier()
    pltpu.sync_copy(acc_sh.at[pl.ds(sid * DEG_TILE, DEG_TILE)],
                    out_hbm.at[cid].at[pl.ds(sid * DEG_TILE, DEG_TILE)])


@functools.partial(
    pl.kernel,
    out_type=jax.ShapeDtypeStruct((NC, AGG_PAD, D), jnp.float32),
    mesh=_mesh(),
    scratch_types=[
        pltpu.VMEM((CPT, CHUNK), jnp.int32),
        pltpu.VMEM((CPT, CHUNK), jnp.int32),
        pltpu.VMEM((CHUNK, D), jnp.float32),
        pltpu.SemaphoreType.DMA,
        pltpu.VMEM_SHARED((AGG_PAD, D), jnp.float32),
    ],
)
def _agg_sc(g_hbm, src_hbm, dst_hbm, z_hbm, out_hbm,
            src_v, dst_v, rows, gsem, acc_sh):
    cid = lax.axis_index("c")
    sid = lax.axis_index("s")
    wid = cid * NS + sid
    pltpu.sync_copy(src_hbm.at[pl.ds(wid * CPT, CPT)], src_v)
    pltpu.sync_copy(dst_hbm.at[pl.ds(wid * CPT, CPT)], dst_v)
    pltpu.sync_copy(z_hbm.at[pl.ds(sid * AGG_TILE, AGG_TILE)],
                    acc_sh.at[pl.ds(sid * AGG_TILE, AGG_TILE)])
    plsc.subcore_barrier()

    def body(step, carry):
        for k in range(4):
            j = step * 4 + k
            pltpu.async_copy(g_hbm.at[src_v.at[j]], rows, gsem).wait()
            pltpu.sync_copy(rows, acc_sh.at[dst_v.at[j]], add=True)
        return carry

    lax.fori_loop(0, CPT // 4, body, 0)
    plsc.subcore_barrier()
    pltpu.sync_copy(acc_sh.at[pl.ds(sid * AGG_TILE, AGG_TILE)],
                    out_hbm.at[cid].at[pl.ds(sid * AGG_TILE, AGG_TILE)])



def _dense1(x, W1, degp):
    def body(x_ref, w_ref, d0_ref, d1_ref, h_ref, g_ref, dv_ref):
        dv = lax.rsqrt(d0_ref[0] + d1_ref[0] + 1.0)
        h = jnp.dot(x_ref[...], w_ref[...], preferred_element_type=jnp.float32)
        h_ref[...] = h
        g_ref[...] = h * dv
        dv_ref[...] = jnp.broadcast_to(dv, (R, D))

    return pl.pallas_call(
        body,
        grid=(G,),
        in_specs=[
            pl.BlockSpec((R, D), lambda i: (i, 0)),
            pl.BlockSpec((D, D), lambda i: (0, 0)),
            pl.BlockSpec((1, R, 1), lambda i: (0, i, 0)),
            pl.BlockSpec((1, R, 1), lambda i: (1, i, 0)),
        ],
        out_specs=[
            pl.BlockSpec((R, D), lambda i: (i, 0)),
            pl.BlockSpec((R, D), lambda i: (i, 0)),
            pl.BlockSpec((R, D), lambda i: (i, 0)),
        ],
        out_shape=[
            jax.ShapeDtypeStruct((N, D), jnp.float32),
            jax.ShapeDtypeStruct((N, D), jnp.float32),
            jax.ShapeDtypeStruct((N, D), jnp.float32),
        ],
    )(x, W1, degp, degp)


def _dense_mid(agg, h1, dv, b1, W2):
    def body(p0_ref, p1_ref, h_ref, dv_ref, b_ref, w_ref, h2_ref, g2_ref):
        dv = dv_ref[...]
        z = dv * (p0_ref[0] + p1_ref[0]) + dv * dv * h_ref[...] + b_ref[...]
        z = jnp.maximum(z, 0.0)
        h2 = jnp.dot(z, w_ref[...], preferred_element_type=jnp.float32)
        h2_ref[...] = h2
        g2_ref[...] = h2 * dv

    return pl.pallas_call(
        body,
        grid=(G,),
        in_specs=[
            pl.BlockSpec((1, R, D), lambda i: (0, i, 0)),
            pl.BlockSpec((1, R, D), lambda i: (1, i, 0)),
            pl.BlockSpec((R, D), lambda i: (i, 0)),
            pl.BlockSpec((R, D), lambda i: (i, 0)),
            pl.BlockSpec((1, D), lambda i: (0, 0)),
            pl.BlockSpec((D, D), lambda i: (0, 0)),
        ],
        out_specs=[
            pl.BlockSpec((R, D), lambda i: (i, 0)),
            pl.BlockSpec((R, D), lambda i: (i, 0)),
        ],
        out_shape=[
            jax.ShapeDtypeStruct((N, D), jnp.float32),
            jax.ShapeDtypeStruct((N, D), jnp.float32),
        ],
    )(agg, agg, h1, dv, b1, W2)


def _dense_out(agg, h2, dv, b2, Wout, bout):
    def body(q0_ref, q1_ref, h_ref, dv_ref, b_ref, w_ref, bo_ref, o_ref):
        dv = dv_ref[...]
        z = dv * (q0_ref[0] + q1_ref[0]) + dv * dv * h_ref[...] + b_ref[...]
        z = jnp.maximum(z, 0.0)
        o_ref[...] = jnp.dot(z, w_ref[...],
                             preferred_element_type=jnp.float32) + bo_ref[...]

    return pl.pallas_call(
        body,
        grid=(G,),
        in_specs=[
            pl.BlockSpec((1, R, D), lambda i: (0, i, 0)),
            pl.BlockSpec((1, R, D), lambda i: (1, i, 0)),
            pl.BlockSpec((R, D), lambda i: (i, 0)),
            pl.BlockSpec((R, D), lambda i: (i, 0)),
            pl.BlockSpec((1, D), lambda i: (0, 0)),
            pl.BlockSpec((D, 1), lambda i: (0, 0)),
            pl.BlockSpec((1, 1), lambda i: (0, 0)),
        ],
        out_specs=pl.BlockSpec((R, 1), lambda i: (i, 0)),
        out_shape=jax.ShapeDtypeStruct((N, 1), jnp.float32),
    )(agg, agg, h2, dv, b2, Wout, bout)



def kernel(x, edge_index, W1, b1, W2, b2, Wout, bout):
    src = edge_index[0].astype(jnp.int32)
    dst = edge_index[1].astype(jnp.int32)
    pad = E_PAD - E
    iota = lax.iota(jnp.int32, pad)
    src2d = jnp.concatenate([src, iota % N]).reshape(NW * CPT, CHUNK)
    dst2d = jnp.concatenate([dst, N + iota % (AGG_PAD - N)]).reshape(NW * CPT, CHUNK)
    zeros2d = jnp.zeros((AGG_PAD, D), jnp.float32)
    zeros1d = jnp.zeros((DEG_PAD,), jnp.float32)
    ones128 = jnp.ones((CHUNK,), jnp.float32)

    degp = _deg_sc(dst2d, zeros1d, ones128)
    h1, g1, dv = _dense1(x, W1, degp.reshape(NC, DEG_PAD, 1))
    agg1 = _agg_sc(g1, src2d, dst2d, zeros2d)
    h2, g2 = _dense_mid(agg1, h1, dv, b1.reshape(1, D), W2)
    agg2 = _agg_sc(g2, src2d, dst2d, zeros2d)
    return _dense_out(agg2, h2, dv, b2.reshape(1, D), Wout, bout.reshape(1, 1))

# --- scband reference (transcript-rebuilt; emitter-appended) ---
"""Pipeline reference for scband-teacher-gnn-14542759264928 (READ-ONLY COPY).

The authoritative reference and input builder live on the scoring server;
editing this copy changes nothing except your own understanding.
"""

import jax, jax.numpy as jnp
import numpy as np

N_NODES = 10000
N_EDGES = 320000
D_IN = 128
D_HID = 128
D_OUT = 128


def gcn_conv(x, src, dst, W, b, num_nodes):
    # add self loops
    loop = jnp.arange(num_nodes, dtype=src.dtype)
    src_f = jnp.concatenate([src, loop])
    dst_f = jnp.concatenate([dst, loop])
    # symmetric normalization D^{-1/2} (A+I) D^{-1/2}
    deg = jnp.zeros((num_nodes,), dtype=x.dtype).at[dst_f].add(1.0)
    dinv = jnp.where(deg > 0, deg ** -0.5, 0.0)
    norm = dinv[src_f] * dinv[dst_f]
    h = x @ W
    msg = h[src_f] * norm[:, None]
    out = jnp.zeros((num_nodes, W.shape[1]), dtype=x.dtype).at[dst_f].add(msg)
    return out + b


def setup_inputs(seed: int = 0) -> dict:
    key = jax.random.key(seed)
    ks = jax.random.split(key, 8)
    x = jax.random.normal(ks[0], (N_NODES, D_IN), dtype=jnp.float32)
    edge_index = jax.random.randint(ks[1], (2, N_EDGES), 0, N_NODES, dtype=jnp.int64 if jax.config.jax_enable_x64 else jnp.int32)
    W1 = jax.random.normal(ks[2], (D_IN, D_HID), dtype=jnp.float32) * (1.0 / np.sqrt(D_IN))
    b1 = jnp.zeros((D_HID,), dtype=jnp.float32)
    W2 = jax.random.normal(ks[3], (D_HID, D_OUT), dtype=jnp.float32) * (1.0 / np.sqrt(D_HID))
    b2 = jnp.zeros((D_OUT,), dtype=jnp.float32)
    Wout = jax.random.normal(ks[4], (D_OUT, 1), dtype=jnp.float32) * (1.0 / np.sqrt(D_OUT))
    bout = jnp.zeros((1,), dtype=jnp.float32)
    return {"x": x, "edge_index": edge_index, "W1": W1, "b1": b1, "W2": W2, "b2": b2, "Wout": Wout, "bout": bout}


def reference(x, edge_index, W1, b1, W2, b2, Wout, bout):
    src, dst = edge_index[0], edge_index[1]
    h = jax.nn.relu(gcn_conv(x, src, dst, W1, b1, N_NODES))
    h = jax.nn.relu(gcn_conv(h, src, dst, W2, b2, N_NODES))
    return h @ Wout + bout

if __name__ == "__main__":
    import jax
    _d = setup_inputs()
    print(jax.jit(kernel)(*tuple(_d.values())))

</pallas_src>

<mosaic_0001>
#map = affine_map<(d0, d1) -> (0, 0)>
#map1 = affine_map<(d0, d1) -> (0, 0, 0)>
module attributes {stable_mosaic.version = 14 : i64} {
  func.func @_agg_sc(%arg0: i32, %arg1: i32, %arg2: memref<10000x128xf32, #tpu.memory_space<hbm>>, %arg3: memref<2560x128xi32, #tpu.memory_space<hbm>>, %arg4: memref<2560x128xi32, #tpu.memory_space<hbm>>, %arg5: memref<10240x128xf32, #tpu.memory_space<hbm>>, %arg6: memref<2x10240x128xf32, #tpu.memory_space<hbm>>, %arg7: memref<80x128xi32, #tpu.memory_space<vmem>>, %arg8: memref<80x128xi32, #tpu.memory_space<vmem>>, %arg9: memref<128x128xf32, #tpu.memory_space<vmem>>, %arg10: memref<!tpu.dma_semaphore, #tpu.memory_space<semaphore_mem>>, %arg11: memref<10240x128xf32, #tpu.memory_space<vmem_shared>>) attributes {dimension_semantics = [#tpu.dimension_semantics<core_parallel>, #tpu.dimension_semantics<subcore_parallel>], iteration_bounds = array<i64: 2, 16>, scalar_prefetch = 0 : i64, scratch_operands = 5 : i64, tpu.core_type = #tpu.core_type<sc_vector_subcore>, window_params = [{transform_indices = #map}, {transform_indices = #map}, {transform_indices = #map}, {transform_indices = #map}, {transform_indices = #map1}]} {
    %mul3A = arith.constant 16 : i32
    %mul3A_0 = arith.muli %arg0, %mul3A : i32
    %add3A = arith.addi %mul3A_0, %arg1 : i32
    %mul3A_1 = arith.constant 80 : i32
    %mul3A_2 = arith.muli %add3A, %mul3A_1 : i32
    "tpu.region"() ({
      %run_scoped3A = tpu.sem_alloc : memref<!tpu.dma_semaphore, #tpu.memory_space<semaphore_mem>>
      %dma_start3A = arith.constant 0 : i32
      %dma_start3A_19 = tpu.memref_slice %arg3[%mul3A_2, %dma_start3A] : memref<2560x128xi32, #tpu.memory_space<hbm>> -> memref<80x128xi32, #tpu.memory_space<hbm>>
      %dma_start3A_20 = arith.constant 0 : i32
      %dma_start3A_21 = tpu.memref_slice %arg3[%mul3A_2, %dma_start3A_20] : memref<2560x128xi32, #tpu.memory_space<hbm>> -> memref<80x128xi32, #tpu.memory_space<hbm>>
      tpu.enqueue_dma source(%dma_start3A_21 : memref<80x128xi32, #tpu.memory_space<hbm>>) target(%arg7 : memref<80x128xi32, #tpu.memory_space<vmem>>) target_semaphore(%run_scoped3A : memref<!tpu.dma_semaphore, #tpu.memory_space<semaphore_mem>>)
      %dma_wait3A = arith.constant 0 : i32
      %dma_wait3A_22 = tpu.memref_slice %arg3[%mul3A_2, %dma_wait3A] : memref<2560x128xi32, #tpu.memory_space<hbm>> -> memref<80x128xi32, #tpu.memory_space<hbm>>
      %dma_wait3A_23 = arith.constant 0 : i32
      %dma_wait3A_24 = tpu.memref_slice %arg3[%mul3A_2, %dma_wait3A_23] : memref<2560x128xi32, #tpu.memory_space<hbm>> -> memref<80x128xi32, #tpu.memory_space<hbm>>
      tpu.wait_dma2 semaphore(%run_scoped3A : memref<!tpu.dma_semaphore, #tpu.memory_space<semaphore_mem>>) src(%dma_wait3A_24 : memref<80x128xi32, #tpu.memory_space<hbm>>) dst(%arg7 : memref<80x128xi32, #tpu.memory_space<vmem>>)
      tpu.yield
    }) : () -> ()
    %mul3A_3 = arith.constant 80 : i32
    %mul3A_4 = arith.muli %add3A, %mul3A_3 : i32
    "tpu.region"() ({
      %run_scoped3A = tpu.sem_alloc : memref<!tpu.dma_semaphore, #tpu.memory_space<semaphore_mem>>
      %dma_start3A = arith.constant 0 : i32
      %dma_start3A_19 = tpu.memref_slice %arg4[%mul3A_4, %dma_start3A] : memref<2560x128xi32, #tpu.memory_space<hbm>> -> memref<80x128xi32, #tpu.memory_space<hbm>>
      %dma_start3A_20 = arith.constant 0 : i32
      %dma_start3A_21 = tpu.memref_slice %arg4[%mul3A_4, %dma_start3A_20] : memref<2560x128xi32, #tpu.memory_space<hbm>> -> memref<80x128xi32, #tpu.memory_space<hbm>>
      tpu.enqueue_dma source(%dma_start3A_21 : memref<80x128xi32, #tpu.memory_space<hbm>>) target(%arg8 : memref<80x128xi32, #tpu.memory_space<vmem>>) target_semaphore(%run_scoped3A : memref<!tpu.dma_semaphore, #tpu.memory_space<semaphore_mem>>)
      %dma_wait3A = arith.constant 0 : i32
      %dma_wait3A_22 = tpu.memref_slice %arg4[%mul3A_4, %dma_wait3A] : memref<2560x128xi32, #tpu.memory_space<hbm>> -> memref<80x128xi32, #tpu.memory_space<hbm>>
      %dma_wait3A_23 = arith.constant 0 : i32
      %dma_wait3A_24 = tpu.memref_slice %arg4[%mul3A_4, %dma_wait3A_23] : memref<2560x128xi32, #tpu.memory_space<hbm>> -> memref<80x128xi32, #tpu.memory_space<hbm>>
      tpu.wait_dma2 semaphore(%run_scoped3A : memref<!tpu.dma_semaphore, #tpu.memory_space<semaphore_mem>>) src(%dma_wait3A_24 : memref<80x128xi32, #tpu.memory_space<hbm>>) dst(%arg8 : memref<80x128xi32, #tpu.memory_space<vmem>>)
      tpu.yield
    }) : () -> ()
    %mul3A_5 = arith.constant 640 : i32
    %mul3A_6 = arith.muli %arg1, %mul3A_5 : i32
    %mul3A_7 = arith.constant 640 : i32
    %mul3A_8 = arith.muli %arg1, %mul3A_7 : i32
    "tpu.region"() ({
      %run_scoped3A = tpu.sem_alloc : memref<!tpu.dma_semaphore, #tpu.memory_space<semaphore_mem>>
      %dma_start3A = arith.constant 0 : i32
      %dma_start3A_19 = tpu.memref_slice %arg11[%mul3A_8, %dma_start3A] : memref<10240x128xf32, #tpu.memory_space<vmem_shared>> -> memref<640x128xf32, #tpu.memory_space<vmem_shared>>
      %dma_start3A_20 = arith.constant 0 : i32
      %dma_start3A_21 = tpu.memref_slice %arg5[%mul3A_6, %dma_start3A_20] : memref<10240x128xf32, #tpu.memory_space<hbm>> -> memref<640x128xf32, #tpu.memory_space<hbm>>
      tpu.enqueue_dma source(%dma_start3A_21 : memref<640x128xf32, #tpu.memory_space<hbm>>) target(%dma_start3A_19 : memref<640x128xf32, #tpu.memory_space<vmem_shared>>) target_semaphore(%run_scoped3A : memref<!tpu.dma_semaphore, #tpu.memory_space<semaphore_mem>>)
      %dma_wait3A = arith.constant 0 : i32
      %dma_wait3A_22 = tpu.memref_slice %arg11[%mul3A_8, %dma_wait3A] : memref<10240x128xf32, #tpu.memory_space<vmem_shared>> -> memref<640x128xf32, #tpu.memory_space<vmem_shared>>
      %dma_wait3A_23 = arith.constant 0 : i32
      %dma_wait3A_24 = tpu.memref_slice %arg5[%mul3A_6, %dma_wait3A_23] : memref<10240x128xf32, #tpu.memory_space<hbm>> -> memref<640x128xf32, #tpu.memory_space<hbm>>
      tpu.wait_dma2 semaphore(%run_scoped3A : memref<!tpu.dma_semaphore, #tpu.memory_space<semaphore_mem>>) src(%dma_wait3A_24 : memref<640x128xf32, #tpu.memory_space<hbm>>) dst(%dma_wait3A_22 : memref<640x128xf32, #tpu.memory_space<vmem_shared>>)
      tpu.yield
    }) : () -> ()
    %barrier3A = arith.constant 0 : index
    tpu.barrier barrier_id(%barrier3A)
    %scan3A = arith.constant 0 : i32
    %scan3A_9 = arith.constant 0 : i32
    %scan3A_10 = arith.constant 20 : i32
    %scan3A_11 = arith.addi %scan3A_9, %scan3A_10 : i32
    %scan3A_12 = arith.constant 1 : i32
    scf.for %scan3A_19 = %scan3A_9 to %scan3A_11 step %scan3A_12  : i32 {
      %mul3A_20 = arith.constant 4 : i32
      %mul3A_21 = arith.muli %scan3A_19, %mul3A_20 : i32
      %add3A_22 = arith.constant 0 : i32
      %add3A_23 = arith.addi %mul3A_21, %add3A_22 : i32
      %dma_start3A = arith.constant 0 : i32
      %dma_start3A_24 = tpu.memref_slice %arg7[%add3A_23, %dma_start3A] : memref<80x128xi32, #tpu.memory_space<vmem>> -> memref<1x128xi32, #tpu.memory_space<vmem>>
      %dma_start3A_25 = tpu.memref_squeeze %dma_start3A_24 : memref<1x128xi32, #tpu.memory_space<vmem>> -> memref<128xi32, #tpu.memory_space<vmem>>
      %dma_start3A_26 = arith.constant 0 : i32
      %dma_start3A_27 = arith.constant 0 : i32
      %dma_start3A_28 = tpu.memref_slice %arg2[%dma_start3A_26, %dma_start3A_27] : memref<10000x128xf32, #tpu.memory_space<hbm>> -> memref<10000x128xf32, #tpu.memory_space<hbm>>
      tpu.enqueue_indirect_dma source(%dma_start3A_28 : memref<10000x128xf32, #tpu.memory_space<hbm>>) target(%arg9 : memref<128x128xf32, #tpu.memory_space<vmem>>) offsets(%dma_start3A_25 : memref<128xi32, #tpu.memory_space<vmem>>) semaphore(%arg10 : memref<!tpu.dma_semaphore, #tpu.memory_space<semaphore_mem>>)
      %dma_wait3A = arith.constant 0 : i32
      %dma_wait3A_29 = tpu.memref_slice %arg7[%add3A_23, %dma_wait3A] : memref<80x128xi32, #tpu.memory_space<vmem>> -> memref<1x128xi32, #tpu.memory_space<vmem>>
      %dma_wait3A_30 = tpu.memref_squeeze %dma_wait3A_29 : memref<1x128xi32, #tpu.memory_space<vmem>> -> memref<128xi32, #tpu.memory_space<vmem>>
      %dma_wait3A_31 = arith.constant 0 : i32
      %dma_wait3A_32 = arith.constant 0 : i32
      %dma_wait3A_33 = tpu.memref_slice %arg2[%dma_wait3A_31, %dma_wait3A_32] : memref<10000x128xf32, #tpu.memory_space<hbm>> -> memref<10000x128xf32, #tpu.memory_space<hbm>>
      tpu.wait_indirect_dma semaphore(%arg10 : memref<!tpu.dma_semaphore, #tpu.memory_space<semaphore_mem>>) src(%dma_wait3A_33 : memref<10000x128xf32, #tpu.memory_space<hbm>>) dst(%arg9 : memref<128x128xf32, #tpu.memory_space<vmem>>)
      "tpu.region"() ({
        %run_scoped3A = tpu.sem_alloc : memref<!tpu.dma_semaphore, #tpu.memory_space<semaphore_mem>>
        %dma_start3A_82 = arith.constant 0 : i32
        %dma_start3A_83 = tpu.memref_slice %arg8[%add3A_23, %dma_start3A_82] : memref<80x128xi32, #tpu.memory_space<vmem>> -> memref<1x128xi32, #tpu.memory_space<vmem>>
        %dma_start3A_84 = tpu.memref_squeeze %dma_start3A_83 : memref<1x128xi32, #tpu.memory_space<vmem>> -> memref<128xi32, #tpu.memory_space<vmem>>
        %dma_start3A_85 = arith.constant 0 : i32
        %dma_start3A_86 = arith.constant 0 : i32
        %dma_start3A_87 = tpu.memref_slice %arg11[%dma_start3A_85, %dma_start3A_86] : memref<10240x128xf32, #tpu.memory_space<vmem_shared>> -> memref<10240x128xf32, #tpu.memory_space<vmem_shared>>
        tpu.enqueue_indirect_dma source(%arg9 : memref<128x128xf32, #tpu.memory_space<vmem>>) target(%dma_start3A_87 : memref<10240x128xf32, #tpu.memory_space<vmem_shared>>) offsets(%dma_start3A_84 : memref<128xi32, #tpu.memory_space<vmem>>) semaphore(%run_scoped3A : memref<!tpu.dma_semaphore, #tpu.memory_space<semaphore_mem>>) {add = true}
        %dma_wait3A_88 = arith.constant 0 : i32
        %dma_wait3A_89 = tpu.memref_slice %arg8[%add3A_23, %dma_wait3A_88] : memref<80x128xi32, #tpu.memory_space<vmem>> -> memref<1x128xi32, #tpu.memory_space<vmem>>
        %dma_wait3A_90 = tpu.memref_squeeze %dma_wait3A_89 : memref<1x128xi32, #tpu.memory_space<vmem>> -> memref<128xi32, #tpu.memory_space<vmem>>
        %dma_wait3A_91 = arith.constant 0 : i32
        %dma_wait3A_92 = arith.constant 0 : i32
        %dma_wait3A_93 = tpu.memref_slice %arg11[%dma_wait3A_91, %dma_wait3A_92] : memref<10240x128xf32, #tpu.memory_space<vmem_shared>> -> memref<10240x128xf32, #tpu.memory_space<vmem_shared>>
        tpu.wait_indirect_dma semaphore(%run_scoped3A : memref<!tpu.dma_semaphore, #tpu.memory_space<semaphore_mem>>) src(%arg9 : memref<128x128xf32, #tpu.memory_space<vmem>>) dst(%dma_wait3A_93 : memref<10240x128xf32, #tpu.memory_space<vmem_shared>>)
        tpu.yield
      }) : () -> ()
      %mul3A_34 = arith.constant 4 : i32
      %mul3A_35 = arith.muli %scan3A_19, %mul3A_34 : i32
      %add3A_36 = arith.constant 1 : i32
      %add3A_37 = arith.addi %mul3A_35, %add3A_36 : i32
      %dma_start3A_38 = arith.constant 0 : i32
      %dma_start3A_39 = tpu.memref_slice %arg7[%add3A_37, %dma_start3A_38] : memref<80x128xi32, #tpu.memory_space<vmem>> -> memref<1x128xi32, #tpu.memory_space<vmem>>
      %dma_start3A_40 = tpu.memref_squeeze %dma_start3A_39 : memref<1x128xi32, #tpu.memory_space<vmem>> -> memref<128xi32, #tpu.memory_space<vmem>>
      %dma_start3A_41 = arith.constant 0 : i32
      %dma_start3A_42 = arith.constant 0 : i32
      %dma_start3A_43 = tpu.memref_slice %arg2[%dma_start3A_41, %dma_start3A_42] : memref<10000x128xf32, #tpu.memory_space<hbm>> -> memref<10000x128xf32, #tpu.memory_space<hbm>>
      tpu.enqueue_indirect_dma source(%dma_start3A_43 : memref<10000x128xf32, #tpu.memory_space<hbm>>) target(%arg9 : memref<128x128xf32, #tpu.memory_space<vmem>>) offsets(%dma_start3A_40 : memref<128xi32, #tpu.memory_space<vmem>>) semaphore(%arg10 : memref<!tpu.dma_semaphore, #tpu.memory_space<semaphore_mem>>)
      %dma_wait3A_44 = arith.constant 0 : i32
      %dma_wait3A_45 = tpu.memref_slice %arg7[%add3A_37, %dma_wait3A_44] : memref<80x128xi32, #tpu.memory_space<vmem>> -> memref<1x128xi32, #tpu.memory_space<vmem>>
      %dma_wait3A_46 = tpu.memref_squeeze %dma_wait3A_45 : memref<1x128xi32, #tpu.memory_space<vmem>> -> memref<128xi32, #tpu.memory_space<vmem>>
      %dma_wait3A_47 = arith.constant 0 : i32
      %dma_wait3A_48 = arith.constant 0 : i32
      %dma_wait3A_49 = tpu.memref_slice %arg2[%dma_wait3A_47, %dma_wait3A_48] : memref<10000x128xf32, #tpu.memory_space<hbm>> -> memref<10000x128xf32, #tpu.memory_space<hbm>>
      tpu.wait_indirect_dma semaphore(%arg10 : memref<!tpu.dma_semaphore, #tpu.memory_space<semaphore_mem>>) src(%dma_wait3A_49 : memref<10000x128xf32, #tpu.memory_space<hbm>>) dst(%arg9 : memref<128x128xf32, #tpu.memory_space<vmem>>)
      "tpu.region"() ({
        %run_scoped3A = tpu.sem_alloc : memref<!tpu.dma_semaphore, #tpu.memory_space<semaphore_mem>>
        %dma_start3A_82 = arith.constant 0 : i32
        %dma_start3A_83 = tpu.memref_slice %arg8[%add3A_37, %dma_start3A_82] : memref<80x128xi32, #tpu.memory_space<vmem>> -> memref<1x128xi32, #tpu.memory_space<vmem>>
        %dma_start3A_84 = tpu.memref_squeeze %dma_start3A_83 : memref<1x128xi32, #tpu.memory_space<vmem>> -> memref<128xi32, #tpu.memory_space<vmem>>
        %dma_start3A_85 = arith.constant 0 : i32
        %dma_start3A_86 = arith.constant 0 : i32
        %dma_start3A_87 = tpu.memref_slice %arg11[%dma_start3A_85, %dma_start3A_86] : memref<10240x128xf32, #tpu.memory_space<vmem_shared>> -> memref<10240x128xf32, #tpu.memory_space<vmem_shared>>
        tpu.enqueue_indirect_dma source(%arg9 : memref<128x128xf32, #tpu.memory_space<vmem>>) target(%dma_start3A_87 : memref<10240x128xf32, #tpu.memory_space<vmem_shared>>) offsets(%dma_start3A_84 : memref<128xi32, #tpu.memory_space<vmem>>) semaphore(%run_scoped3A : memref<!tpu.dma_semaphore, #tpu.memory_space<semaphore_mem>>) {add = true}
        %dma_wait3A_88 = arith.constant 0 : i32
        %dma_wait3A_89 = tpu.memref_slice %arg8[%add3A_37, %dma_wait3A_88] : memref<80x128xi32, #tpu.memory_space<vmem>> -> memref<1x128xi32, #tpu.memory_space<vmem>>
        %dma_wait3A_90 = tpu.memref_squeeze %dma_wait3A_89 : memref<1x128xi32, #tpu.memory_space<vmem>> -> memref<128xi32, #tpu.memory_space<vmem>>
        %dma_wait3A_91 = arith.constant 0 : i32
        %dma_wait3A_92 = arith.constant 0 : i32
        %dma_wait3A_93 = tpu.memref_slice %arg11[%dma_wait3A_91, %dma_wait3A_92] : memref<10240x128xf32, #tpu.memory_space<vmem_shared>> -> memref<10240x128xf32, #tpu.memory_space<vmem_shared>>
        tpu.wait_indirect_dma semaphore(%run_scoped3A : memref<!tpu.dma_semaphore, #tpu.memory_space<semaphore_mem>>) src(%arg9 : memref<128x128xf32, #tpu.memory_space<vmem>>) dst(%dma_wait3A_93 : memref<10240x128xf32, #tpu.memory_space<vmem_shared>>)
        tpu.yield
      }) : () -> ()
      %mul3A_50 = arith.constant 4 : i32
      %mul3A_51 = arith.muli %scan3A_19, %mul3A_50 : i32
      %add3A_52 = arith.constant 2 : i32
      %add3A_53 = arith.addi %mul3A_51, %add3A_52 : i32
      %dma_start3A_54 = arith.constant 0 : i32
      %dma_start3A_55 = tpu.memref_slice %arg7[%add3A_53, %dma_start3A_54] : memref<80x128xi32, #tpu.memory_space<vmem>> -> memref<1x128xi32, #tpu.memory_space<vmem>>
      %dma_start3A_56 = tpu.memref_squeeze %dma_start3A_55 : memref<1x128xi32, #tpu.memory_space<vmem>> -> memref<128xi32, #tpu.memory_space<vmem>>
      %dma_start3A_57 = arith.constant 0 : i32
      %dma_start3A_58 = arith.constant 0 : i32
      %dma_start3A_59 = tpu.memref_slice %arg2[%dma_start3A_57, %dma_start3A_58] : memref<10000x128xf32, #tpu.memory_space<hbm>> -> memref<10000x128xf32, #tpu.memory_space<hbm>>
      tpu.enqueue_indirect_dma source(%dma_start3A_59 : memref<10000x128xf32, #tpu.memory_space<hbm>>) target(%arg9 : memref<128x128xf32, #tpu.memory_space<vmem>>) offsets(%dma_start3A_56 : memref<128xi32, #tpu.memory_space<vmem>>) semaphore(%arg10 : memref<!tpu.dma_semaphore, #tpu.memory_space<semaphore_mem>>)
      %dma_wait3A_60 = arith.constant 0 : i32
      %dma_wait3A_61 = tpu.memref_slice %arg7[%add3A_53, %dma_wait3A_60] : memref<80x128xi32, #tpu.memory_space<vmem>> -> memref<1x128xi32, #tpu.memory_space<vmem>>
      %dma_wait3A_62 = tpu.memref_squeeze %dma_wait3A_61 : memref<1x128xi32, #tpu.memory_space<vmem>> -> memref<128xi32, #tpu.memory_space<vmem>>
      %dma_wait3A_63 = arith.constant 0 : i32
      %dma_wait3A_64 = arith.constant 0 : i32
      %dma_wait3A_65 = tpu.memref_slice %arg2[%dma_wait3A_63, %dma_wait3A_64] : memref<10000x128xf32, #tpu.memory_space<hbm>> -> memref<10000x128xf32, #tpu.memory_space<hbm>>
      tpu.wait_indirect_dma semaphore(%arg10 : memref<!tpu.dma_semaphore, #tpu.memory_space<semaphore_mem>>) src(%dma_wait3A_65 : memref<10000x128xf32, #tpu.memory_space<hbm>>) dst(%arg9 : memref<128x128xf32, #tpu.memory_space<vmem>>)
      "tpu.region"() ({
        %run_scoped3A = tpu.sem_alloc : memref<!tpu.dma_semaphore, #tpu.memory_space<semaphore_mem>>
        %dma_start3A_82 = arith.constant 0 : i32
        %dma_start3A_83 = tpu.memref_slice %arg8[%add3A_53, %dma_start3A_82] : memref<80x128xi32, #tpu.memory_space<vmem>> -> memref<1x128xi32, #tpu.memory_space<vmem>>
        %dma_start3A_84 = tpu.memref_squeeze %dma_start3A_83 : memref<1x128xi32, #tpu.memory_space<vmem>> -> memref<128xi32, #tpu.memory_space<vmem>>
        %dma_start3A_85 = arith.constant 0 : i32
        %dma_start3A_86 = arith.constant 0 : i32
        %dma_start3A_87 = tpu.memref_slice %arg11[%dma_start3A_85, %dma_start3A_86] : memref<10240x128xf32, #tpu.memory_space<vmem_shared>> -> memref<10240x128xf32, #tpu.memory_space<vmem_shared>>
        tpu.enqueue_indirect_dma source(%arg9 : memref<128x128xf32, #tpu.memory_space<vmem>>) target(%dma_start3A_87 : memref<10240x128xf32, #tpu.memory_space<vmem_shared>>) offsets(%dma_start3A_84 : memref<128xi32, #tpu.memory_space<vmem>>) semaphore(%run_scoped3A : memref<!tpu.dma_semaphore, #tpu.memory_space<semaphore_mem>>) {add = true}
        %dma_wait3A_88 = arith.constant 0 : i32
        %dma_wait3A_89 = tpu.memref_slice %arg8[%add3A_53, %dma_wait3A_88] : memref<80x128xi32, #tpu.memory_space<vmem>> -> memref<1x128xi32, #tpu.memory_space<vmem>>
        %dma_wait3A_90 = tpu.memref_squeeze %dma_wait3A_89 : memref<1x128xi32, #tpu.memory_space<vmem>> -> memref<128xi32, #tpu.memory_space<vmem>>
        %dma_wait3A_91 = arith.constant 0 : i32
        %dma_wait3A_92 = arith.constant 0 : i32
        %dma_wait3A_93 = tpu.memref_slice %arg11[%dma_wait3A_91, %dma_wait3A_92] : memref<10240x128xf32, #tpu.memory_space<vmem_shared>> -> memref<10240x128xf32, #tpu.memory_space<vmem_shared>>
        tpu.wait_indirect_dma semaphore(%run_scoped3A : memref<!tpu.dma_semaphore, #tpu.memory_space<semaphore_mem>>) src(%arg9 : memref<128x128xf32, #tpu.memory_space<vmem>>) dst(%dma_wait3A_93 : memref<10240x128xf32, #tpu.memory_space<vmem_shared>>)
        tpu.yield
      }) : () -> ()
      %mul3A_66 = arith.constant 4 : i32
      %mul3A_67 = arith.muli %scan3A_19, %mul3A_66 : i32
      %add3A_68 = arith.constant 3 : i32
      %add3A_69 = arith.addi %mul3A_67, %add3A_68 : i32
      %dma_start3A_70 = arith.constant 0 : i32
      %dma_start3A_71 = tpu.memref_slice %arg7[%add3A_69, %dma_start3A_70] : memref<80x128xi32, #tpu.memory_space<vmem>> -> memref<1x128xi32, #tpu.memory_space<vmem>>
      %dma_start3A_72 = tpu.memref_squeeze %dma_start3A_71 : memref<1x128xi32, #tpu.memory_space<vmem>> -> memref<128xi32, #tpu.memory_space<vmem>>
      %dma_start3A_73 = arith.constant 0 : i32
      %dma_start3A_74 = arith.constant 0 : i32
      %dma_start3A_75 = tpu.memref_slice %arg2[%dma_start3A_73, %dma_start3A_74] : memref<10000x128xf32, #tpu.memory_space<hbm>> -> memref<10000x128xf32, #tpu.memory_space<hbm>>
      tpu.enqueue_indirect_dma source(%dma_start3A_75 : memref<10000x128xf32, #tpu.memory_space<hbm>>) target(%arg9 : memref<128x128xf32, #tpu.memory_space<vmem>>) offsets(%dma_start3A_72 : memref<128xi32, #tpu.memory_space<vmem>>) semaphore(%arg10 : memref<!tpu.dma_semaphore, #tpu.memory_space<semaphore_mem>>)
      %dma_wait3A_76 = arith.constant 0 : i32
      %dma_wait3A_77 = tpu.memref_slice %arg7[%add3A_69, %dma_wait3A_76] : memref<80x128xi32, #tpu.memory_space<vmem>> -> memref<1x128xi32, #tpu.memory_space<vmem>>
      %dma_wait3A_78 = tpu.memref_squeeze %dma_wait3A_77 : memref<1x128xi32, #tpu.memory_space<vmem>> -> memref<128xi32, #tpu.memory_space<vmem>>
      %dma_wait3A_79 = arith.constant 0 : i32
      %dma_wait3A_80 = arith.constant 0 : i32
      %dma_wait3A_81 = tpu.memref_slice %arg2[%dma_wait3A_79, %dma_wait3A_80] : memref<10000x128xf32, #tpu.memory_space<hbm>> -> memref<10000x128xf32, #tpu.memory_space<hbm>>
      tpu.wait_indirect_dma semaphore(%arg10 : memref<!tpu.dma_semaphore, #tpu.memory_space<semaphore_mem>>) src(%dma_wait3A_81 : memref<10000x128xf32, #tpu.memory_space<hbm>>) dst(%arg9 : memref<128x128xf32, #tpu.memory_space<vmem>>)
      "tpu.region"() ({
        %run_scoped3A = tpu.sem_alloc : memref<!tpu.dma_semaphore, #tpu.memory_space<semaphore_mem>>
        %dma_start3A_82 = arith.constant 0 : i32
        %dma_start3A_83 = tpu.memref_slice %arg8[%add3A_69, %dma_start3A_82] : memref<80x128xi32, #tpu.memory_space<vmem>> -> memref<1x128xi32, #tpu.memory_space<vmem>>
        %dma_start3A_84 = tpu.memref_squeeze %dma_start3A_83 : memref<1x128xi32, #tpu.memory_space<vmem>> -> memref<128xi32, #tpu.memory_space<vmem>>
        %dma_start3A_85 = arith.constant 0 : i32
        %dma_start3A_86 = arith.constant 0 : i32
        %dma_start3A_87 = tpu.memref_slice %arg11[%dma_start3A_85, %dma_start3A_86] : memref<10240x128xf32, #tpu.memory_space<vmem_shared>> -> memref<10240x128xf32, #tpu.memory_space<vmem_shared>>
        tpu.enqueue_indirect_dma source(%arg9 : memref<128x128xf32, #tpu.memory_space<vmem>>) target(%dma_start3A_87 : memref<10240x128xf32, #tpu.memory_space<vmem_shared>>) offsets(%dma_start3A_84 : memref<128xi32, #tpu.memory_space<vmem>>) semaphore(%run_scoped3A : memref<!tpu.dma_semaphore, #tpu.memory_space<semaphore_mem>>) {add = true}
        %dma_wait3A_88 = arith.constant 0 : i32
        %dma_wait3A_89 = tpu.memref_slice %arg8[%add3A_69, %dma_wait3A_88] : memref<80x128xi32, #tpu.memory_space<vmem>> -> memref<1x128xi32, #tpu.memory_space<vmem>>
        %dma_wait3A_90 = tpu.memref_squeeze %dma_wait3A_89 : memref<1x128xi32, #tpu.memory_space<vmem>> -> memref<128xi32, #tpu.memory_space<vmem>>
        %dma_wait3A_91 = arith.constant 0 : i32
        %dma_wait3A_92 = arith.constant 0 : i32
        %dma_wait3A_93 = tpu.memref_slice %arg11[%dma_wait3A_91, %dma_wait3A_92] : memref<10240x128xf32, #tpu.memory_space<vmem_shared>> -> memref<10240x128xf32, #tpu.memory_space<vmem_shared>>
        tpu.wait_indirect_dma semaphore(%run_scoped3A : memref<!tpu.dma_semaphore, #tpu.memory_space<semaphore_mem>>) src(%arg9 : memref<128x128xf32, #tpu.memory_space<vmem>>) dst(%dma_wait3A_93 : memref<10240x128xf32, #tpu.memory_space<vmem_shared>>)
        tpu.yield
      }) : () -> ()
    }
    %scan3A_13 = arith.constant 20 : i32
    %barrier3A_14 = arith.constant 0 : index
    tpu.barrier barrier_id(%barrier3A_14)
    %mul3A_15 = arith.constant 640 : i32
    %mul3A_16 = arith.muli %arg1, %mul3A_15 : i32
    %mul3A_17 = arith.constant 640 : i32
    %mul3A_18 = arith.muli %arg1, %mul3A_17 : i32
    "tpu.region"() ({
      %run_scoped3A = tpu.sem_alloc : memref<!tpu.dma_semaphore, #tpu.memory_space<semaphore_mem>>
      %dma_start3A = arith.constant 0 : i32
      %dma_start3A_19 = arith.constant 0 : i32
      %dma_start3A_20 = tpu.memref_slice %arg6[%arg0, %dma_start3A, %dma_start3A_19] : memref<2x10240x128xf32, #tpu.memory_space<hbm>> -> memref<1x10240x128xf32, #tpu.memory_space<hbm>>
      %dma_start3A_21 = tpu.memref_squeeze %dma_start3A_20 : memref<1x10240x128xf32, #tpu.memory_space<hbm>> -> memref<10240x128xf32, #tpu.memory_space<hbm>>
      %dma_start3A_22 = arith.constant 0 : i32
      %dma_start3A_23 = tpu.memref_slice %dma_start3A_21[%mul3A_18, %dma_start3A_22] : memref<10240x128xf32, #tpu.memory_space<hbm>> -> memref<640x128xf32, #tpu.memory_space<hbm>>
      %dma_start3A_24 = arith.constant 0 : i32
      %dma_start3A_25 = tpu.memref_slice %arg11[%mul3A_16, %dma_start3A_24] : memref<10240x128xf32, #tpu.memory_space<vmem_shared>> -> memref<640x128xf32, #tpu.memory_space<vmem_shared>>
      tpu.enqueue_dma source(%dma_start3A_25 : memref<640x128xf32, #tpu.memory_space<vmem_shared>>) target(%dma_start3A_23 : memref<640x128xf32, #tpu.memory_space<hbm>>) target_semaphore(%run_scoped3A : memref<!tpu.dma_semaphore, #tpu.memory_space<semaphore_mem>>)
      %dma_wait3A = arith.constant 0 : i32
      %dma_wait3A_26 = arith.constant 0 : i32
      %dma_wait3A_27 = tpu.memref_slice %arg6[%arg0, %dma_wait3A, %dma_wait3A_26] : memref<2x10240x128xf32, #tpu.memory_space<hbm>> -> memref<1x10240x128xf32, #tpu.memory_space<hbm>>
      %dma_wait3A_28 = tpu.memref_squeeze %dma_wait3A_27 : memref<1x10240x128xf32, #tpu.memory_space<hbm>> -> memref<10240x128xf32, #tpu.memory_space<hbm>>
      %dma_wait3A_29 = arith.constant 0 : i32
      %dma_wait3A_30 = tpu.memref_slice %dma_wait3A_28[%mul3A_18, %dma_wait3A_29] : memref<10240x128xf32, #tpu.memory_space<hbm>> -> memref<640x128xf32, #tpu.memory_space<hbm>>
      %dma_wait3A_31 = arith.constant 0 : i32
      %dma_wait3A_32 = tpu.memref_slice %arg11[%mul3A_16, %dma_wait3A_31] : memref<10240x128xf32, #tpu.memory_space<vmem_shared>> -> memref<640x128xf32, #tpu.memory_space<vmem_shared>>
      tpu.wait_dma2 semaphore(%run_scoped3A : memref<!tpu.dma_semaphore, #tpu.memory_space<semaphore_mem>>) src(%dma_wait3A_32 : memref<640x128xf32, #tpu.memory_space<vmem_shared>>) dst(%dma_wait3A_30 : memref<640x128xf32, #tpu.memory_space<hbm>>)
      tpu.yield
    }) : () -> ()
    return
  }
}

#map = affine_map<(d0, d1) -> (0, 0)>
#map1 = affine_map<(d0, d1) -> (0)>
module attributes {stable_mosaic.version = 14 : i64} {
  func.func @_deg_sc(%arg0: i32, %arg1: i32, %arg2: memref<2560x128xi32, #tpu.memory_space<hbm>>, %arg3: memref<10240xf32, #tpu.memory_space<hbm>>, %arg4: memref<128xf32, #tpu.memory_space<hbm>>, %arg5: memref<2x10240xf32, #tpu.memory_space<hbm>>, %arg6: memref<80x128xi32, #tpu.memory_space<vmem>>, %arg7: memref<128xf32, #tpu.memory_space<vmem>>, %arg8: memref<10240xf32, #tpu.memory_space<vmem_shared>>) attributes {dimension_semantics = [#tpu.dimension_semantics<core_parallel>, #tpu.dimension_semantics<subcore_parallel>], iteration_bounds = array<i64: 2, 16>, scalar_prefetch = 0 : i64, scratch_operands = 3 : i64, tpu.core_type = #tpu.core_type<sc_vector_subcore>, window_params = [{transform_indices = #map}, {transform_indices = #map1}, {transform_indices = #map1}, {transform_indices = #map}]} {
    %mul3A = arith.constant 16 : i32
    %mul3A_0 = arith.muli %arg0, %mul3A : i32
    %add3A = arith.addi %mul3A_0, %arg1 : i32
    %mul3A_1 = arith.constant 80 : i32
    %mul3A_2 = arith.muli %add3A, %mul3A_1 : i32
    "tpu.region"() ({
      %run_scoped3A = tpu.sem_alloc : memref<!tpu.dma_semaphore, #tpu.memory_space<semaphore_mem>>
      %dma_start3A = arith.constant 0 : i32
      %dma_start3A_17 = tpu.memref_slice %arg2[%mul3A_2, %dma_start3A] : memref<2560x128xi32, #tpu.memory_space<hbm>> -> memref<80x128xi32, #tpu.memory_space<hbm>>
      %dma_start3A_18 = arith.constant 0 : i32
      %dma_start3A_19 = tpu.memref_slice %arg2[%mul3A_2, %dma_start3A_18] : memref<2560x128xi32, #tpu.memory_space<hbm>> -> memref<80x128xi32, #tpu.memory_space<hbm>>
      tpu.enqueue_dma source(%dma_start3A_19 : memref<80x128xi32, #tpu.memory_space<hbm>>) target(%arg6 : memref<80x128xi32, #tpu.memory_space<vmem>>) target_semaphore(%run_scoped3A : memref<!tpu.dma_semaphore, #tpu.memory_space<semaphore_mem>>)
      %dma_wait3A = arith.constant 0 : i32
      %dma_wait3A_20 = tpu.memref_slice %arg2[%mul3A_2, %dma_wait3A] : memref<2560x128xi32, #tpu.memory_space<hbm>> -> memref<80x128xi32, #tpu.memory_space<hbm>>
      %dma_wait3A_21 = arith.constant 0 : i32
      %dma_wait3A_22 = tpu.memref_slice %arg2[%mul3A_2, %dma_wait3A_21] : memref<2560x128xi32, #tpu.memory_space<hbm>> -> memref<80x128xi32, #tpu.memory_space<hbm>>
      tpu.wait_dma2 semaphore(%run_scoped3A : memref<!tpu.dma_semaphore, #tpu.memory_space<semaphore_mem>>) src(%dma_wait3A_22 : memref<80x128xi32, #tpu.memory_space<hbm>>) dst(%arg6 : memref<80x128xi32, #tpu.memory_space<vmem>>)
      tpu.yield
    }) : () -> ()
    "tpu.region"() ({
      %run_scoped3A = tpu.sem_alloc : memref<!tpu.dma_semaphore, #tpu.memory_space<semaphore_mem>>
      tpu.enqueue_dma source(%arg4 : memref<128xf32, #tpu.memory_space<hbm>>) target(%arg7 : memref<128xf32, #tpu.memory_space<vmem>>) target_semaphore(%run_scoped3A : memref<!tpu.dma_semaphore, #tpu.memory_space<semaphore_mem>>)
      tpu.wait_dma2 semaphore(%run_scoped3A : memref<!tpu.dma_semaphore, #tpu.memory_space<semaphore_mem>>) src(%arg4 : memref<128xf32, #tpu.memory_space<hbm>>) dst(%arg7 : memref<128xf32, #tpu.memory_space<vmem>>)
      tpu.yield
    }) : () -> ()
    %mul3A_3 = arith.constant 640 : i32
    %mul3A_4 = arith.muli %arg1, %mul3A_3 : i32
    %mul3A_5 = arith.constant 640 : i32
    %mul3A_6 = arith.muli %arg1, %mul3A_5 : i32
    "tpu.region"() ({
      %run_scoped3A = tpu.sem_alloc : memref<!tpu.dma_semaphore, #tpu.memory_space<semaphore_mem>>
      %dma_start3A = tpu.memref_slice %arg8[%mul3A_6] : memref<10240xf32, #tpu.memory_space<vmem_shared>> -> memref<640xf32, #tpu.memory_space<vmem_shared>>
      %dma_start3A_17 = tpu.memref_slice %arg3[%mul3A_4] : memref<10240xf32, #tpu.memory_space<hbm>> -> memref<640xf32, #tpu.memory_space<hbm>>
      tpu.enqueue_dma source(%dma_start3A_17 : memref<640xf32, #tpu.memory_space<hbm>>) target(%dma_start3A : memref<640xf32, #tpu.memory_space<vmem_shared>>) target_semaphore(%run_scoped3A : memref<!tpu.dma_semaphore, #tpu.memory_space<semaphore_mem>>)
      %dma_wait3A = tpu.memref_slice %arg8[%mul3A_6] : memref<10240xf32, #tpu.memory_space<vmem_shared>> -> memref<640xf32, #tpu.memory_space<vmem_shared>>
      %dma_wait3A_18 = tpu.memref_slice %arg3[%mul3A_4] : memref<10240xf32, #tpu.memory_space<hbm>> -> memref<640xf32, #tpu.memory_space<hbm>>
      tpu.wait_dma2 semaphore(%run_scoped3A : memref<!tpu.dma_semaphore, #tpu.memory_space<semaphore_mem>>) src(%dma_wait3A_18 : memref<640xf32, #tpu.memory_space<hbm>>) dst(%dma_wait3A : memref<640xf32, #tpu.memory_space<vmem_shared>>)
      tpu.yield
    }) : () -> ()
    %barrier3A = arith.constant 0 : index
    tpu.barrier barrier_id(%barrier3A)
    %scan3A = arith.constant 0 : i32
    %scan3A_7 = arith.constant 0 : i32
    %scan3A_8 = arith.constant 80 : i32
    %scan3A_9 = arith.addi %scan3A_7, %scan3A_8 : i32
    %scan3A_10 = arith.constant 1 : i32
    scf.for %scan3A_17 = %scan3A_7 to %scan3A_9 step %scan3A_10  : i32 {
      "tpu.region"() ({
        %run_scoped3A = tpu.sem_alloc : memref<!tpu.dma_semaphore, #tpu.memory_space<semaphore_mem>>
        %dma_start3A = arith.constant 0 : i32
        %dma_start3A_18 = tpu.memref_slice %arg6[%scan3A_17, %dma_start3A] : memref<80x128xi32, #tpu.memory_space<vmem>> -> memref<1x128xi32, #tpu.memory_space<vmem>>
        %dma_start3A_19 = tpu.memref_squeeze %dma_start3A_18 : memref<1x128xi32, #tpu.memory_space<vmem>> -> memref<128xi32, #tpu.memory_space<vmem>>
        %dma_start3A_20 = arith.constant 0 : i32
        %dma_start3A_21 = tpu.memref_slice %arg8[%dma_start3A_20] : memref<10240xf32, #tpu.memory_space<vmem_shared>> -> memref<10240xf32, #tpu.memory_space<vmem_shared>>
        tpu.enqueue_indirect_dma source(%arg7 : memref<128xf32, #tpu.memory_space<vmem>>) target(%dma_start3A_21 : memref<10240xf32, #tpu.memory_space<vmem_shared>>) offsets(%dma_start3A_19 : memref<128xi32, #tpu.memory_space<vmem>>) semaphore(%run_scoped3A : memref<!tpu.dma_semaphore, #tpu.memory_space<semaphore_mem>>) {add = true}
        %dma_wait3A = arith.constant 0 : i32
        %dma_wait3A_22 = tpu.memref_slice %arg6[%scan3A_17, %dma_wait3A] : memref<80x128xi32, #tpu.memory_space<vmem>> -> memref<1x128xi32, #tpu.memory_space<vmem>>
        %dma_wait3A_23 = tpu.memref_squeeze %dma_wait3A_22 : memref<1x128xi32, #tpu.memory_space<vmem>> -> memref<128xi32, #tpu.memory_space<vmem>>
        %dma_wait3A_24 = arith.constant 0 : i32
        %dma_wait3A_25 = tpu.memref_slice %arg8[%dma_wait3A_24] : memref<10240xf32, #tpu.memory_space<vmem_shared>> -> memref<10240xf32, #tpu.memory_space<vmem_shared>>
        tpu.wait_indirect_dma semaphore(%run_scoped3A : memref<!tpu.dma_semaphore, #tpu.memory_space<semaphore_mem>>) src(%arg7 : memref<128xf32, #tpu.memory_space<vmem>>) dst(%dma_wait3A_25 : memref<10240xf32, #tpu.memory_space<vmem_shared>>)
        tpu.yield
      }) : () -> ()
    }
    %scan3A_11 = arith.constant 80 : i32
    %barrier3A_12 = arith.constant 0 : index
    tpu.barrier barrier_id(%barrier3A_12)
    %mul3A_13 = arith.constant 640 : i32
    %mul3A_14 = arith.muli %arg1, %mul3A_13 : i32
    %mul3A_15 = arith.constant 640 : i32
    %mul3A_16 = arith.muli %arg1, %mul3A_15 : i32
    "tpu.region"() ({
      %run_scoped3A = tpu.sem_alloc : memref<!tpu.dma_semaphore, #tpu.memory_space<semaphore_mem>>
      %dma_start3A = arith.constant 0 : i32
      %dma_start3A_17 = tpu.memref_slice %arg5[%arg0, %dma_start3A] : memref<2x10240xf32, #tpu.memory_space<hbm>> -> memref<1x10240xf32, #tpu.memory_space<hbm>>
      %dma_start3A_18 = tpu.memref_squeeze %dma_start3A_17 : memref<1x10240xf32, #tpu.memory_space<hbm>> -> memref<10240xf32, #tpu.memory_space<hbm>>
      %dma_start3A_19 = tpu.memref_slice %dma_start3A_18[%mul3A_16] : memref<10240xf32, #tpu.memory_space<hbm>> -> memref<640xf32, #tpu.memory_space<hbm>>
      %dma_start3A_20 = tpu.memref_slice %arg8[%mul3A_14] : memref<10240xf32, #tpu.memory_space<vmem_shared>> -> memref<640xf32, #tpu.memory_space<vmem_shared>>
      tpu.enqueue_dma source(%dma_start3A_20 : memref<640xf32, #tpu.memory_space<vmem_shared>>) target(%dma_start3A_19 : memref<640xf32, #tpu.memory_space<hbm>>) target_semaphore(%run_scoped3A : memref<!tpu.dma_semaphore, #tpu.memory_space<semaphore_mem>>)
      %dma_wait3A = arith.constant 0 : i32
      %dma_wait3A_21 = tpu.memref_slice %arg5[%arg0, %dma_wait3A] : memref<2x10240xf32, #tpu.memory_space<hbm>> -> memref<1x10240xf32, #tpu.memory_space<hbm>>
      %dma_wait3A_22 = tpu.memref_squeeze %dma_wait3A_21 : memref<1x10240xf32, #tpu.memory_space<hbm>> -> memref<10240xf32, #tpu.memory_space<hbm>>
      %dma_wait3A_23 = tpu.memref_slice %dma_wait3A_22[%mul3A_16] : memref<10240xf32, #tpu.memory_space<hbm>> -> memref<640xf32, #tpu.memory_space<hbm>>
      %dma_wait3A_24 = tpu.memref_slice %arg8[%mul3A_14] : memref<10240xf32, #tpu.memory_space<vmem_shared>> -> memref<640xf32, #tpu.memory_space<vmem_shared>>
      tpu.wait_dma2 semaphore(%run_scoped3A : memref<!tpu.dma_semaphore, #tpu.memory_space<semaphore_mem>>) src(%dma_wait3A_24 : memref<640xf32, #tpu.memory_space<vmem_shared>>) dst(%dma_wait3A_23 : memref<640xf32, #tpu.memory_space<hbm>>)
      tpu.yield
    }) : () -> ()
    return
  }
}

#map = affine_map<(d0, d1) -> (0, 0)>
#map1 = affine_map<(d0, d1) -> (0, 0, 0)>
module attributes {stable_mosaic.version = 14 : i64} {
  func.func @_agg_sc(%arg0: i32, %arg1: i32, %arg2: memref<10000x128xf32, #tpu.memory_space<hbm>>, %arg3: memref<2560x128xi32, #tpu.memory_space<hbm>>, %arg4: memref<2560x128xi32, #tpu.memory_space<hbm>>, %arg5: memref<10240x128xf32, #tpu.memory_space<hbm>>, %arg6: memref<2x10240x128xf32, #tpu.memory_space<hbm>>, %arg7: memref<80x128xi32, #tpu.memory_space<vmem>>, %arg8: memref<80x128xi32, #tpu.memory_space<vmem>>, %arg9: memref<128x128xf32, #tpu.memory_space<vmem>>, %arg10: memref<!tpu.dma_semaphore, #tpu.memory_space<semaphore_mem>>, %arg11: memref<10240x128xf32, #tpu.memory_space<vmem_shared>>) attributes {dimension_semantics = [#tpu.dimension_semantics<core_parallel>, #tpu.dimension_semantics<subcore_parallel>], iteration_bounds = array<i64: 2, 16>, scalar_prefetch = 0 : i64, scratch_operands = 5 : i64, tpu.core_type = #tpu.core_type<sc_vector_subcore>, window_params = [{transform_indices = #map}, {transform_indices = #map}, {transform_indices = #map}, {transform_indices = #map}, {transform_indices = #map1}]} {
    %mul3A = arith.constant 16 : i32
    %mul3A_0 = arith.muli %arg0, %mul3A : i32
    %add3A = arith.addi %mul3A_0, %arg1 : i32
    %mul3A_1 = arith.constant 80 : i32
    %mul3A_2 = arith.muli %add3A, %mul3A_1 : i32
    "tpu.region"() ({
      %run_scoped3A = tpu.sem_alloc : memref<!tpu.dma_semaphore, #tpu.memory_space<semaphore_mem>>
      %dma_start3A = arith.constant 0 : i32
      %dma_start3A_19 = tpu.memref_slice %arg3[%mul3A_2, %dma_start3A] : memref<2560x128xi32, #tpu.memory_space<hbm>> -> memref<80x128xi32, #tpu.memory_space<hbm>>
      %dma_start3A_20 = arith.constant 0 : i32
      %dma_start3A_21 = tpu.memref_slice %arg3[%mul3A_2, %dma_start3A_20] : memref<2560x128xi32, #tpu.memory_space<hbm>> -> memref<80x128xi32, #tpu.memory_space<hbm>>
      tpu.enqueue_dma source(%dma_start3A_21 : memref<80x128xi32, #tpu.memory_space<hbm>>) target(%arg7 : memref<80x128xi32, #tpu.memory_space<vmem>>) target_semaphore(%run_scoped3A : memref<!tpu.dma_semaphore, #tpu.memory_space<semaphore_mem>>)
      %dma_wait3A = arith.constant 0 : i32
      %dma_wait3A_22 = tpu.memref_slice %arg3[%mul3A_2, %dma_wait3A] : memref<2560x128xi32, #tpu.memory_space<hbm>> -> memref<80x128xi32, #tpu.memory_space<hbm>>
      %dma_wait3A_23 = arith.constant 0 : i32
      %dma_wait3A_24 = tpu.memref_slice %arg3[%mul3A_2, %dma_wait3A_23] : memref<2560x128xi32, #tpu.memory_space<hbm>> -> memref<80x128xi32, #tpu.memory_space<hbm>>
      tpu.wait_dma2 semaphore(%run_scoped3A : memref<!tpu.dma_semaphore, #tpu.memory_space<semaphore_mem>>) src(%dma_wait3A_24 : memref<80x128xi32, #tpu.memory_space<hbm>>) dst(%arg7 : memref<80x128xi32, #tpu.memory_space<vmem>>)
      tpu.yield
    }) : () -> ()
    %mul3A_3 = arith.constant 80 : i32
    %mul3A_4 = arith.muli %add3A, %mul3A_3 : i32
    "tpu.region"() ({
      %run_scoped3A = tpu.sem_alloc : memref<!tpu.dma_semaphore, #tpu.memory_space<semaphore_mem>>
      %dma_start3A = arith.constant 0 : i32
      %dma_start3A_19 = tpu.memref_slice %arg4[%mul3A_4, %dma_start3A] : memref<2560x128xi32, #tpu.memory_space<hbm>> -> memref<80x128xi32, #tpu.memory_space<hbm>>
      %dma_start3A_20 = arith.constant 0 : i32
      %dma_start3A_21 = tpu.memref_slice %arg4[%mul3A_4, %dma_start3A_20] : memref<2560x128xi32, #tpu.memory_space<hbm>> -> memref<80x128xi32, #tpu.memory_space<hbm>>
      tpu.enqueue_dma source(%dma_start3A_21 : memref<80x128xi32, #tpu.memory_space<hbm>>) target(%arg8 : memref<80x128xi32, #tpu.memory_space<vmem>>) target_semaphore(%run_scoped3A : memref<!tpu.dma_semaphore, #tpu.memory_space<semaphore_mem>>)
      %dma_wait3A = arith.constant 0 : i32
      %dma_wait3A_22 = tpu.memref_slice %arg4[%mul3A_4, %dma_wait3A] : memref<2560x128xi32, #tpu.memory_space<hbm>> -> memref<80x128xi32, #tpu.memory_space<hbm>>
      %dma_wait3A_23 = arith.constant 0 : i32
      %dma_wait3A_24 = tpu.memref_slice %arg4[%mul3A_4, %dma_wait3A_23] : memref<2560x128xi32, #tpu.memory_space<hbm>> -> memref<80x128xi32, #tpu.memory_space<hbm>>
      tpu.wait_dma2 semaphore(%run_scoped3A : memref<!tpu.dma_semaphore, #tpu.memory_space<semaphore_mem>>) src(%dma_wait3A_24 : memref<80x128xi32, #tpu.memory_space<hbm>>) dst(%arg8 : memref<80x128xi32, #tpu.memory_space<vmem>>)
      tpu.yield
    }) : () -> ()
    %mul3A_5 = arith.constant 640 : i32
    %mul3A_6 = arith.muli %arg1, %mul3A_5 : i32
    %mul3A_7 = arith.constant 640 : i32
    %mul3A_8 = arith.muli %arg1, %mul3A_7 : i32
    "tpu.region"() ({
      %run_scoped3A = tpu.sem_alloc : memref<!tpu.dma_semaphore, #tpu.memory_space<semaphore_mem>>
      %dma_start3A = arith.constant 0 : i32
      %dma_start3A_19 = tpu.memref_slice %arg11[%mul3A_8, %dma_start3A] : memref<10240x128xf32, #tpu.memory_space<vmem_shared>> -> memref<640x128xf32, #tpu.memory_space<vmem_shared>>
      %dma_start3A_20 = arith.constant 0 : i32
      %dma_start3A_21 = tpu.memref_slice %arg5[%mul3A_6, %dma_start3A_20] : memref<10240x128xf32, #tpu.memory_space<hbm>> -> memref<640x128xf32, #tpu.memory_space<hbm>>
      tpu.enqueue_dma source(%dma_start3A_21 : memref<640x128xf32, #tpu.memory_space<hbm>>) target(%dma_start3A_19 : memref<640x128xf32, #tpu.memory_space<vmem_shared>>) target_semaphore(%run_scoped3A : memref<!tpu.dma_semaphore, #tpu.memory_space<semaphore_mem>>)
      %dma_wait3A = arith.constant 0 : i32
      %dma_wait3A_22 = tpu.memref_slice %arg11[%mul3A_8, %dma_wait3A] : memref<10240x128xf32, #tpu.memory_space<vmem_shared>> -> memref<640x128xf32, #tpu.memory_space<vmem_shared>>
      %dma_wait3A_23 = arith.constant 0 : i32
      %dma_wait3A_24 = tpu.memref_slice %arg5[%mul3A_6, %dma_wait3A_23] : memref<10240x128xf32, #tpu.memory_space<hbm>> -> memref<640x128xf32, #tpu.memory_space<hbm>>
      tpu.wait_dma2 semaphore(%run_scoped3A : memref<!tpu.dma_semaphore, #tpu.memory_space<semaphore_mem>>) src(%dma_wait3A_24 : memref<640x128xf32, #tpu.memory_space<hbm>>) dst(%dma_wait3A_22 : memref<640x128xf32, #tpu.memory_space<vmem_shared>>)
      tpu.yield
    }) : () -> ()
    %barrier3A = arith.constant 0 : index
    tpu.barrier barrier_id(%barrier3A)
    %scan3A = arith.constant 0 : i32
    %scan3A_9 = arith.constant 0 : i32
    %scan3A_10 = arith.constant 20 : i32
    %scan3A_11 = arith.addi %scan3A_9, %scan3A_10 : i32
    %scan3A_12 = arith.constant 1 : i32
    scf.for %scan3A_19 = %scan3A_9 to %scan3A_11 step %scan3A_12  : i32 {
      %mul3A_20 = arith.constant 4 : i32
      %mul3A_21 = arith.muli %scan3A_19, %mul3A_20 : i32
      %add3A_22 = arith.constant 0 : i32
      %add3A_23 = arith.addi %mul3A_21, %add3A_22 : i32
      %dma_start3A = arith.constant 0 : i32
      %dma_start3A_24 = tpu.memref_slice %arg7[%add3A_23, %dma_start3A] : memref<80x128xi32, #tpu.memory_space<vmem>> -> memref<1x128xi32, #tpu.memory_space<vmem>>
      %dma_start3A_25 = tpu.memref_squeeze %dma_start3A_24 : memref<1x128xi32, #tpu.memory_space<vmem>> -> memref<128xi32, #tpu.memory_space<vmem>>
      %dma_start3A_26 = arith.constant 0 : i32
      %dma_start3A_27 = arith.constant 0 : i32
      %dma_start3A_28 = tpu.memref_slice %arg2[%dma_start3A_26, %dma_start3A_27] : memref<10000x128xf32, #tpu.memory_space<hbm>> -> memref<10000x128xf32, #tpu.memory_space<hbm>>
      tpu.enqueue_indirect_dma source(%dma_start3A_28 : memref<10000x128xf32, #tpu.memory_space<hbm>>) target(%arg9 : memref<128x128xf32, #tpu.memory_space<vmem>>) offsets(%dma_start3A_25 : memref<128xi32, #tpu.memory_space<vmem>>) semaphore(%arg10 : memref<!tpu.dma_semaphore, #tpu.memory_space<semaphore_mem>>)
      %dma_wait3A = arith.constant 0 : i32
      %dma_wait3A_29 = tpu.memref_slice %arg7[%add3A_23, %dma_wait3A] : memref<80x128xi32, #tpu.memory_space<vmem>> -> memref<1x128xi32, #tpu.memory_space<vmem>>
      %dma_wait3A_30 = tpu.memref_squeeze %dma_wait3A_29 : memref<1x128xi32, #tpu.memory_space<vmem>> -> memref<128xi32, #tpu.memory_space<vmem>>
      %dma_wait3A_31 = arith.constant 0 : i32
      %dma_wait3A_32 = arith.constant 0 : i32
      %dma_wait3A_33 = tpu.memref_slice %arg2[%dma_wait3A_31, %dma_wait3A_32] : memref<10000x128xf32, #tpu.memory_space<hbm>> -> memref<10000x128xf32, #tpu.memory_space<hbm>>
      tpu.wait_indirect_dma semaphore(%arg10 : memref<!tpu.dma_semaphore, #tpu.memory_space<semaphore_mem>>) src(%dma_wait3A_33 : memref<10000x128xf32, #tpu.memory_space<hbm>>) dst(%arg9 : memref<128x128xf32, #tpu.memory_space<vmem>>)
      "tpu.region"() ({
        %run_scoped3A = tpu.sem_alloc : memref<!tpu.dma_semaphore, #tpu.memory_space<semaphore_mem>>
        %dma_start3A_82 = arith.constant 0 : i32
        %dma_start3A_83 = tpu.memref_slice %arg8[%add3A_23, %dma_start3A_82] : memref<80x128xi32, #tpu.memory_space<vmem>> -> memref<1x128xi32, #tpu.memory_space<vmem>>
        %dma_start3A_84 = tpu.memref_squeeze %dma_start3A_83 : memref<1x128xi32, #tpu.memory_space<vmem>> -> memref<128xi32, #tpu.memory_space<vmem>>
        %dma_start3A_85 = arith.constant 0 : i32
        %dma_start3A_86 = arith.constant 0 : i32
        %dma_start3A_87 = tpu.memref_slice %arg11[%dma_start3A_85, %dma_start3A_86] : memref<10240x128xf32, #tpu.memory_space<vmem_shared>> -> memref<10240x128xf32, #tpu.memory_space<vmem_shared>>
        tpu.enqueue_indirect_dma source(%arg9 : memref<128x128xf32, #tpu.memory_space<vmem>>) target(%dma_start3A_87 : memref<10240x128xf32, #tpu.memory_space<vmem_shared>>) offsets(%dma_start3A_84 : memref<128xi32, #tpu.memory_space<vmem>>) semaphore(%run_scoped3A : memref<!tpu.dma_semaphore, #tpu.memory_space<semaphore_mem>>) {add = true}
        %dma_wait3A_88 = arith.constant 0 : i32
        %dma_wait3A_89 = tpu.memref_slice %arg8[%add3A_23, %dma_wait3A_88] : memref<80x128xi32, #tpu.memory_space<vmem>> -> memref<1x128xi32, #tpu.memory_space<vmem>>
        %dma_wait3A_90 = tpu.memref_squeeze %dma_wait3A_89 : memref<1x128xi32, #tpu.memory_space<vmem>> -> memref<128xi32, #tpu.memory_space<vmem>>
        %dma_wait3A_91 = arith.constant 0 : i32
        %dma_wait3A_92 = arith.constant 0 : i32
        %dma_wait3A_93 = tpu.memref_slice %arg11[%dma_wait3A_91, %dma_wait3A_92] : memref<10240x128xf32, #tpu.memory_space<vmem_shared>> -> memref<10240x128xf32, #tpu.memory_space<vmem_shared>>
        tpu.wait_indirect_dma semaphore(%run_scoped3A : memref<!tpu.dma_semaphore, #tpu.memory_space<semaphore_mem>>) src(%arg9 : memref<128x128xf32, #tpu.memory_space<vmem>>) dst(%dma_wait3A_93 : memref<10240x128xf32, #tpu.memory_space<vmem_shared>>)
        tpu.yield
      }) : () -> ()
      %mul3A_34 = arith.constant 4 : i32
      %mul3A_35 = arith.muli %scan3A_19, %mul3A_34 : i32
      %add3A_36 = arith.constant 1 : i32
      %add3A_37 = arith.addi %mul3A_35, %add3A_36 : i32
      %dma_start3A_38 = arith.constant 0 : i32
      %dma_start3A_39 = tpu.memref_slice %arg7[%add3A_37, %dma_start3A_38] : memref<80x128xi32, #tpu.memory_space<vmem>> -> memref<1x128xi32, #tpu.memory_space<vmem>>
      %dma_start3A_40 = tpu.memref_squeeze %dma_start3A_39 : memref<1x128xi32, #tpu.memory_space<vmem>> -> memref<128xi32, #tpu.memory_space<vmem>>
      %dma_start3A_41 = arith.constant 0 : i32
      %dma_start3A_42 = arith.constant 0 : i32
      %dma_start3A_43 = tpu.memref_slice %arg2[%dma_start3A_41, %dma_start3A_42] : memref<10000x128xf32, #tpu.memory_space<hbm>> -> memref<10000x128xf32, #tpu.memory_space<hbm>>
      tpu.enqueue_indirect_dma source(%dma_start3A_43 : memref<10000x128xf32, #tpu.memory_space<hbm>>) target(%arg9 : memref<128x128xf32, #tpu.memory_space<vmem>>) offsets(%dma_start3A_40 : memref<128xi32, #tpu.memory_space<vmem>>) semaphore(%arg10 : memref<!tpu.dma_semaphore, #tpu.memory_space<semaphore_mem>>)
      %dma_wait3A_44 = arith.constant 0 : i32
      %dma_wait3A_45 = tpu.memref_slice %arg7[%add3A_37, %dma_wait3A_44] : memref<80x128xi32, #tpu.memory_space<vmem>> -> memref<1x128xi32, #tpu.memory_space<vmem>>
      %dma_wait3A_46 = tpu.memref_squeeze %dma_wait3A_45 : memref<1x128xi32, #tpu.memory_space<vmem>> -> memref<128xi32, #tpu.memory_space<vmem>>
      %dma_wait3A_47 = arith.constant 0 : i32
      %dma_wait3A_48 = arith.constant 0 : i32
      %dma_wait3A_49 = tpu.memref_slice %arg2[%dma_wait3A_47, %dma_wait3A_48] : memref<10000x128xf32, #tpu.memory_space<hbm>> -> memref<10000x128xf32, #tpu.memory_space<hbm>>
      tpu.wait_indirect_dma semaphore(%arg10 : memref<!tpu.dma_semaphore, #tpu.memory_space<semaphore_mem>>) src(%dma_wait3A_49 : memref<10000x128xf32, #tpu.memory_space<hbm>>) dst(%arg9 : memref<128x128xf32, #tpu.memory_space<vmem>>)
      "tpu.region"() ({
        %run_scoped3A = tpu.sem_alloc : memref<!tpu.dma_semaphore, #tpu.memory_space<semaphore_mem>>
        %dma_start3A_82 = arith.constant 0 : i32
        %dma_start3A_83 = tpu.memref_slice %arg8[%add3A_37, %dma_start3A_82] : memref<80x128xi32, #tpu.memory_space<vmem>> -> memref<1x128xi32, #tpu.memory_space<vmem>>
        %dma_start3A_84 = tpu.memref_squeeze %dma_start3A_83 : memref<1x128xi32, #tpu.memory_space<vmem>> -> memref<128xi32, #tpu.memory_space<vmem>>
        %dma_start3A_85 = arith.constant 0 : i32
        %dma_start3A_86 = arith.constant 0 : i32
        %dma_start3A_87 = tpu.memref_slice %arg11[%dma_start3A_85, %dma_start3A_86] : memref<10240x128xf32, #tpu.memory_space<vmem_shared>> -> memref<10240x128xf32, #tpu.memory_space<vmem_shared>>
        tpu.enqueue_indirect_dma source(%arg9 : memref<128x128xf32, #tpu.memory_space<vmem>>) target(%dma_start3A_87 : memref<10240x128xf32, #tpu.memory_space<vmem_shared>>) offsets(%dma_start3A_84 : memref<128xi32, #tpu.memory_space<vmem>>) semaphore(%run_scoped3A : memref<!tpu.dma_semaphore, #tpu.memory_space<semaphore_mem>>) {add = true}
        %dma_wait3A_88 = arith.constant 0 : i32
        %dma_wait3A_89 = tpu.memref_slice %arg8[%add3A_37, %dma_wait3A_88] : memref<80x128xi32, #tpu.memory_space<vmem>> -> memref<1x128xi32, #tpu.memory_space<vmem>>
        %dma_wait3A_90 = tpu.memref_squeeze %dma_wait3A_89 : memref<1x128xi32, #tpu.memory_space<vmem>> -> memref<128xi32, #tpu.memory_space<vmem>>
        %dma_wait3A_91 = arith.constant 0 : i32
        %dma_wait3A_92 = arith.constant 0 : i32
        %dma_wait3A_93 = tpu.memref_slice %arg11[%dma_wait3A_91, %dma_wait3A_92] : memref<10240x128xf32, #tpu.memory_space<vmem_shared>> -> memref<10240x128xf32, #tpu.memory_space<vmem_shared>>
        tpu.wait_indirect_dma semaphore(%run_scoped3A : memref<!tpu.dma_semaphore, #tpu.memory_space<semaphore_mem>>) src(%arg9 : memref<128x128xf32, #tpu.memory_space<vmem>>) dst(%dma_wait3A_93 : memref<10240x128xf32, #tpu.memory_space<vmem_shared>>)
        tpu.yield
      }) : () -> ()
      %mul3A_50 = arith.constant 4 : i32
      %mul3A_51 = arith.muli %scan3A_19, %mul3A_50 : i32
      %add3A_52 = arith.constant 2 : i32
      %add3A_53 = arith.addi %mul3A_51, %add3A_52 : i32
      %dma_start3A_54 = arith.constant 0 : i32
      %dma_start3A_55 = tpu.memref_slice %arg7[%add3A_53, %dma_start3A_54] : memref<80x128xi32, #tpu.memory_space<vmem>> -> memref<1x128xi32, #tpu.memory_space<vmem>>
      %dma_start3A_56 = tpu.memref_squeeze %dma_start3A_55 : memref<1x128xi32, #tpu.memory_space<vmem>> -> memref<128xi32, #tpu.memory_space<vmem>>
      %dma_start3A_57 = arith.constant 0 : i32
      %dma_start3A_58 = arith.constant 0 : i32
      %dma_start3A_59 = tpu.memref_slice %arg2[%dma_start3A_57, %dma_start3A_58] : memref<10000x128xf32, #tpu.memory_space<hbm>> -> memref<10000x128xf32, #tpu.memory_space<hbm>>
      tpu.enqueue_indirect_dma source(%dma_start3A_59 : memref<10000x128xf32, #tpu.memory_space<hbm>>) target(%arg9 : memref<128x128xf32, #tpu.memory_space<vmem>>) offsets(%dma_start3A_56 : memref<128xi32, #tpu.memory_space<vmem>>) semaphore(%arg10 : memref<!tpu.dma_semaphore, #tpu.memory_space<semaphore_mem>>)
      %dma_wait3A_60 = arith.constant 0 : i32
      %dma_wait3A_61 = tpu.memref_slice %arg7[%add3A_53, %dma_wait3A_60] : memref<80x128xi32, #tpu.memory_space<vmem>> -> memref<1x128xi32, #tpu.memory_space<vmem>>
      %dma_wait3A_62 = tpu.memref_squeeze %dma_wait3A_61 : memref<1x128xi32, #tpu.memory_space<vmem>> -> memref<128xi32, #tpu.memory_space<vmem>>
      %dma_wait3A_63 = arith.constant 0 : i32
      %dma_wait3A_64 = arith.constant 0 : i32
      %dma_wait3A_65 = tpu.memref_slice %arg2[%dma_wait3A_63, %dma_wait3A_64] : memref<10000x128xf32, #tpu.memory_space<hbm>> -> memref<10000x128xf32, #tpu.memory_space<hbm>>
      tpu.wait_indirect_dma semaphore(%arg10 : memref<!tpu.dma_semaphore, #tpu.memory_space<semaphore_mem>>) src(%dma_wait3A_65 : memref<10000x128xf32, #tpu.memory_space<hbm>>) dst(%arg9 : memref<128x128xf32, #tpu.memory_space<vmem>>)
      "tpu.region"() ({
        %run_scoped3A = tpu.sem_alloc : memref<!tpu.dma_semaphore, #tpu.memory_space<semaphore_mem>>
        %dma_start3A_82 = arith.constant 0 : i32
        %dma_start3A_83 = tpu.memref_slice %arg8[%add3A_53, %dma_start3A_82] : memref<80x128xi32, #tpu.memory_space<vmem>> -> memref<1x128xi32, #tpu.memory_space<vmem>>
        %dma_start3A_84 = tpu.memref_squeeze %dma_start3A_83 : memref<1x128xi32, #tpu.memory_space<vmem>> -> memref<128xi32, #tpu.memory_space<vmem>>
        %dma_start3A_85 = arith.constant 0 : i32
        %dma_start3A_86 = arith.constant 0 : i32
        %dma_start3A_87 = tpu.memref_slice %arg11[%dma_start3A_85, %dma_start3A_86] : memref<10240x128xf32, #tpu.memory_space<vmem_shared>> -> memref<10240x128xf32, #tpu.memory_space<vmem_shared>>
        tpu.enqueue_indirect_dma source(%arg9 : memref<128x128xf32, #tpu.memory_space<vmem>>) target(%dma_start3A_87 : memref<10240x128xf32, #tpu.memory_space<vmem_shared>>) offsets(%dma_start3A_84 : memref<128xi32, #tpu.memory_space<vmem>>) semaphore(%run_scoped3A : memref<!tpu.dma_semaphore, #tpu.memory_space<semaphore_mem>>) {add = true}
        %dma_wait3A_88 = arith.constant 0 : i32
        %dma_wait3A_89 = tpu.memref_slice %arg8[%add3A_53, %dma_wait3A_88] : memref<80x128xi32, #tpu.memory_space<vmem>> -> memref<1x128xi32, #tpu.memory_space<vmem>>
        %dma_wait3A_90 = tpu.memref_squeeze %dma_wait3A_89 : memref<1x128xi32, #tpu.memory_space<vmem>> -> memref<128xi32, #tpu.memory_space<vmem>>
        %dma_wait3A_91 = arith.constant 0 : i32
        %dma_wait3A_92 = arith.constant 0 : i32
        %dma_wait3A_93 = tpu.memref_slice %arg11[%dma_wait3A_91, %dma_wait3A_92] : memref<10240x128xf32, #tpu.memory_space<vmem_shared>> -> memref<10240x128xf32, #tpu.memory_space<vmem_shared>>
        tpu.wait_indirect_dma semaphore(%run_scoped3A : memref<!tpu.dma_semaphore, #tpu.memory_space<semaphore_mem>>) src(%arg9 : memref<128x128xf32, #tpu.memory_space<vmem>>) dst(%dma_wait3A_93 : memref<10240x128xf32, #tpu.memory_space<vmem_shared>>)
        tpu.yield
      }) : () -> ()
      %mul3A_66 = arith.constant 4 : i32
      %mul3A_67 = arith.muli %scan3A_19, %mul3A_66 : i32
      %add3A_68 = arith.constant 3 : i32
      %add3A_69 = arith.addi %mul3A_67, %add3A_68 : i32
      %dma_start3A_70 = arith.constant 0 : i32
      %dma_start3A_71 = tpu.memref_slice %arg7[%add3A_69, %dma_start3A_70] : memref<80x128xi32, #tpu.memory_space<vmem>> -> memref<1x128xi32, #tpu.memory_space<vmem>>
      %dma_start3A_72 = tpu.memref_squeeze %dma_start3A_71 : memref<1x128xi32, #tpu.memory_space<vmem>> -> memref<128xi32, #tpu.memory_space<vmem>>
      %dma_start3A_73 = arith.constant 0 : i32
      %dma_start3A_74 = arith.constant 0 : i32
      %dma_start3A_75 = tpu.memref_slice %arg2[%dma_start3A_73, %dma_start3A_74] : memref<10000x128xf32, #tpu.memory_space<hbm>> -> memref<10000x128xf32, #tpu.memory_space<hbm>>
      tpu.enqueue_indirect_dma source(%dma_start3A_75 : memref<10000x128xf32, #tpu.memory_space<hbm>>) target(%arg9 : memref<128x128xf32, #tpu.memory_space<vmem>>) offsets(%dma_start3A_72 : memref<128xi32, #tpu.memory_space<vmem>>) semaphore(%arg10 : memref<!tpu.dma_semaphore, #tpu.memory_space<semaphore_mem>>)
      %dma_wait3A_76 = arith.constant 0 : i32
      %dma_wait3A_77 = tpu.memref_slice %arg7[%add3A_69, %dma_wait3A_76] : memref<80x128xi32, #tpu.memory_space<vmem>> -> memref<1x128xi32, #tpu.memory_space<vmem>>
      %dma_wait3A_78 = tpu.memref_squeeze %dma_wait3A_77 : memref<1x128xi32, #tpu.memory_space<vmem>> -> memref<128xi32, #tpu.memory_space<vmem>>
      %dma_wait3A_79 = arith.constant 0 : i32
      %dma_wait3A_80 = arith.constant 0 : i32
      %dma_wait3A_81 = tpu.memref_slice %arg2[%dma_wait3A_79, %dma_wait3A_80] : memref<10000x128xf32, #tpu.memory_space<hbm>> -> memref<10000x128xf32, #tpu.memory_space<hbm>>
      tpu.wait_indirect_dma semaphore(%arg10 : memref<!tpu.dma_semaphore, #tpu.memory_space<semaphore_mem>>) src(%dma_wait3A_81 : memref<10000x128xf32, #tpu.memory_space<hbm>>) dst(%arg9 : memref<128x128xf32, #tpu.memory_space<vmem>>)
      "tpu.region"() ({
        %run_scoped3A = tpu.sem_alloc : memref<!tpu.dma_semaphore, #tpu.memory_space<semaphore_mem>>
        %dma_start3A_82 = arith.constant 0 : i32
        %dma_start3A_83 = tpu.memref_slice %arg8[%add3A_69, %dma_start3A_82] : memref<80x128xi32, #tpu.memory_space<vmem>> -> memref<1x128xi32, #tpu.memory_space<vmem>>
        %dma_start3A_84 = tpu.memref_squeeze %dma_start3A_83 : memref<1x128xi32, #tpu.memory_space<vmem>> -> memref<128xi32, #tpu.memory_space<vmem>>
        %dma_start3A_85 = arith.constant 0 : i32
        %dma_start3A_86 = arith.constant 0 : i32
        %dma_start3A_87 = tpu.memref_slice %arg11[%dma_start3A_85, %dma_start3A_86] : memref<10240x128xf32, #tpu.memory_space<vmem_shared>> -> memref<10240x128xf32, #tpu.memory_space<vmem_shared>>
        tpu.enqueue_indirect_dma source(%arg9 : memref<128x128xf32, #tpu.memory_space<vmem>>) target(%dma_start3A_87 : memref<10240x128xf32, #tpu.memory_space<vmem_shared>>) offsets(%dma_start3A_84 : memref<128xi32, #tpu.memory_space<vmem>>) semaphore(%run_scoped3A : memref<!tpu.dma_semaphore, #tpu.memory_space<semaphore_mem>>) {add = true}
        %dma_wait3A_88 = arith.constant 0 : i32
        %dma_wait3A_89 = tpu.memref_slice %arg8[%add3A_69, %dma_wait3A_88] : memref<80x128xi32, #tpu.memory_space<vmem>> -> memref<1x128xi32, #tpu.memory_space<vmem>>
        %dma_wait3A_90 = tpu.memref_squeeze %dma_wait3A_89 : memref<1x128xi32, #tpu.memory_space<vmem>> -> memref<128xi32, #tpu.memory_space<vmem>>
        %dma_wait3A_91 = arith.constant 0 : i32
        %dma_wait3A_92 = arith.constant 0 : i32
        %dma_wait3A_93 = tpu.memref_slice %arg11[%dma_wait3A_91, %dma_wait3A_92] : memref<10240x128xf32, #tpu.memory_space<vmem_shared>> -> memref<10240x128xf32, #tpu.memory_space<vmem_shared>>
        tpu.wait_indirect_dma semaphore(%run_scoped3A : memref<!tpu.dma_semaphore, #tpu.memory_space<semaphore_mem>>) src(%arg9 : memref<128x128xf32, #tpu.memory_space<vmem>>) dst(%dma_wait3A_93 : memref<10240x128xf32, #tpu.memory_space<vmem_shared>>)
        tpu.yield
      }) : () -> ()
    }
    %scan3A_13 = arith.constant 20 : i32
    %barrier3A_14 = arith.constant 0 : index
    tpu.barrier barrier_id(%barrier3A_14)
    %mul3A_15 = arith.constant 640 : i32
    %mul3A_16 = arith.muli %arg1, %mul3A_15 : i32
    %mul3A_17 = arith.constant 640 : i32
    %mul3A_18 = arith.muli %arg1, %mul3A_17 : i32
    "tpu.region"() ({
      %run_scoped3A = tpu.sem_alloc : memref<!tpu.dma_semaphore, #tpu.memory_space<semaphore_mem>>
      %dma_start3A = arith.constant 0 : i32
      %dma_start3A_19 = arith.constant 0 : i32
      %dma_start3A_20 = tpu.memref_slice %arg6[%arg0, %dma_start3A, %dma_start3A_19] : memref<2x10240x128xf32, #tpu.memory_space<hbm>> -> memref<1x10240x128xf32, #tpu.memory_space<hbm>>
      %dma_start3A_21 = tpu.memref_squeeze %dma_start3A_20 : memref<1x10240x128xf32, #tpu.memory_space<hbm>> -> memref<10240x128xf32, #tpu.memory_space<hbm>>
      %dma_start3A_22 = arith.constant 0 : i32
      %dma_start3A_23 = tpu.memref_slice %dma_start3A_21[%mul3A_18, %dma_start3A_22] : memref<10240x128xf32, #tpu.memory_space<hbm>> -> memref<640x128xf32, #tpu.memory_space<hbm>>
      %dma_start3A_24 = arith.constant 0 : i32
      %dma_start3A_25 = tpu.memref_slice %arg11[%mul3A_16, %dma_start3A_24] : memref<10240x128xf32, #tpu.memory_space<vmem_shared>> -> memref<640x128xf32, #tpu.memory_space<vmem_shared>>
      tpu.enqueue_dma source(%dma_start3A_25 : memref<640x128xf32, #tpu.memory_space<vmem_shared>>) target(%dma_start3A_23 : memref<640x128xf32, #tpu.memory_space<hbm>>) target_semaphore(%run_scoped3A : memref<!tpu.dma_semaphore, #tpu.memory_space<semaphore_mem>>)
      %dma_wait3A = arith.constant 0 : i32
      %dma_wait3A_26 = arith.constant 0 : i32
      %dma_wait3A_27 = tpu.memref_slice %arg6[%arg0, %dma_wait3A, %dma_wait3A_26] : memref<2x10240x128xf32, #tpu.memory_space<hbm>> -> memref<1x10240x128xf32, #tpu.memory_space<hbm>>
      %dma_wait3A_28 = tpu.memref_squeeze %dma_wait3A_27 : memref<1x10240x128xf32, #tpu.memory_space<hbm>> -> memref<10240x128xf32, #tpu.memory_space<hbm>>
      %dma_wait3A_29 = arith.constant 0 : i32
      %dma_wait3A_30 = tpu.memref_slice %dma_wait3A_28[%mul3A_18, %dma_wait3A_29] : memref<10240x128xf32, #tpu.memory_space<hbm>> -> memref<640x128xf32, #tpu.memory_space<hbm>>
      %dma_wait3A_31 = arith.constant 0 : i32
      %dma_wait3A_32 = tpu.memref_slice %arg11[%mul3A_16, %dma_wait3A_31] : memref<10240x128xf32, #tpu.memory_space<vmem_shared>> -> memref<640x128xf32, #tpu.memory_space<vmem_shared>>
      tpu.wait_dma2 semaphore(%run_scoped3A : memref<!tpu.dma_semaphore, #tpu.memory_space<semaphore_mem>>) src(%dma_wait3A_32 : memref<640x128xf32, #tpu.memory_space<vmem_shared>>) dst(%dma_wait3A_30 : memref<640x128xf32, #tpu.memory_space<hbm>>)
      tpu.yield
    }) : () -> ()
    return
  }
}

module attributes {stable_mosaic.version = 14 : i64} {
  func.func @body(%arg0: i32, %arg1: memref<2000x128xf32, #tpu.memory_space<vmem>>, %arg2: memref<128x128xf32, #tpu.memory_space<vmem>>, %arg3: memref<1x2000x1xf32, #tpu.memory_space<vmem>>, %arg4: memref<1x2000x1xf32, #tpu.memory_space<vmem>>, %arg5: memref<2000x128xf32, #tpu.memory_space<vmem>>, %arg6: memref<2000x128xf32, #tpu.memory_space<vmem>>, %arg7: memref<2000x128xf32, #tpu.memory_space<vmem>>) attributes {dimension_semantics = [#tpu.dimension_semantics<arbitrary>], iteration_bounds = array<i64: 5>, scalar_prefetch = 0 : i64, scratch_operands = 0 : i64, tpu.core_type = #tpu.core_type<tc>, window_params = [{transform_indices = @transform_0, window_bounds = array<i64: 2000, 128>}, {pipeline_mode = #tpu.pipeline_mode<synchronous>, transform_indices = @transform_1, window_bounds = array<i64: 128, 128>}, {transform_indices = @transform_2, window_bounds = array<i64: 1, 2000, 1>}, {transform_indices = @transform_3, window_bounds = array<i64: 1, 2000, 1>}, {transform_indices = @transform_4, window_bounds = array<i64: 2000, 128>}, {transform_indices = @transform_5, window_bounds = array<i64: 2000, 128>}, {transform_indices = @transform_6, window_bounds = array<i64: 2000, 128>}]} {
    %get3A = arith.constant 0 : index
    %get3A_0 = arith.constant 0 : index
    %get3A_1 = arith.constant 0 : index
    %get3A_2 = vector.load %arg3[%get3A, %get3A_0, %get3A_1] : memref<1x2000x1xf32, #tpu.memory_space<vmem>>, vector<1x2000x1xf32>
    %get3A_3 = vector.shape_cast %get3A_2 : vector<1x2000x1xf32> to vector<2000x1xf32>
    %get3A_4 = arith.constant 0 : index
    %get3A_5 = arith.constant 0 : index
    %get3A_6 = arith.constant 0 : index
    %get3A_7 = vector.load %arg4[%get3A_4, %get3A_5, %get3A_6] : memref<1x2000x1xf32, #tpu.memory_space<vmem>>, vector<1x2000x1xf32>
    %get3A_8 = vector.shape_cast %get3A_7 : vector<1x2000x1xf32> to vector<2000x1xf32>
    %add3A = arith.addf %get3A_3, %get3A_8 : vector<2000x1xf32>
    %add3A_9 = arith.constant 1.000000e+00 : f32
    %add3A_10 = vector.broadcast %add3A_9 : f32 to vector<2000x1xf32>
    %add3A_11 = arith.addf %add3A, %add3A_10 : vector<2000x1xf32>
    %rsqrt3A = math.rsqrt %add3A_11 : vector<2000x1xf32>
    %get3A_12 = arith.constant 0 : index
    %get3A_13 = arith.constant 0 : index
    %get3A_14 = vector.load %arg1[%get3A_12, %get3A_13] : memref<2000x128xf32, #tpu.memory_space<vmem>>, vector<2000x128xf32>
    %get3A_15 = arith.constant 0 : index
    %get3A_16 = arith.constant 0 : index
    %get3A_17 = vector.load %arg2[%get3A_15, %get3A_16] : memref<128x128xf32, #tpu.memory_space<vmem>>, vector<128x128xf32>
    %dot_general3A = arith.constant dense<0.000000e+00> : vector<2000x128xf32>
    %dot_general3A_18 = tpu.matmul %get3A_14, %get3A_17, %dot_general3A {dimension_numbers = #tpu.dot_dimension_numbers<[1], [0], [0], [1], [0, 0, 1, 1], [], []>, transpose_lhs_hint = false} : vector<2000x128xf32>, vector<128x128xf32>, vector<2000x128xf32> -> vector<2000x128xf32>
    %swap3A = arith.constant 0 : index
    %swap3A_19 = arith.constant 0 : index
    %swap3A_20 = vector.load %arg5[%swap3A, %swap3A_19] : memref<2000x128xf32, #tpu.memory_space<vmem>>, vector<2000x128xf32>
    tpu.vector_store %arg5[%swap3A, %swap3A_19], %dot_general3A_18 {strides = array<i32>} : memref<2000x128xf32, #tpu.memory_space<vmem>>, vector<2000x128xf32>,
    %mul3A = vector.broadcast %rsqrt3A : vector<2000x1xf32> to vector<2000x128xf32>
    %mul3A_21 = arith.mulf %dot_general3A_18, %mul3A : vector<2000x128xf32>
    %swap3A_22 = arith.constant 0 : index
    %swap3A_23 = arith.constant 0 : index
    %swap3A_24 = vector.load %arg6[%swap3A_22, %swap3A_23] : memref<2000x128xf32, #tpu.memory_space<vmem>>, vector<2000x128xf32>
    tpu.vector_store %arg6[%swap3A_22, %swap3A_23], %mul3A_21 {strides = array<i32>} : memref<2000x128xf32, #tpu.memory_space<vmem>>, vector<2000x128xf32>,
    %broadcast_in_dim3A = vector.shape_cast %rsqrt3A : vector<2000x1xf32> to vector<2000x1xf32>
    %broadcast_in_dim3A_25 = vector.broadcast %broadcast_in_dim3A : vector<2000x1xf32> to vector<2000x128xf32>
    %swap3A_26 = arith.constant 0 : index
    %swap3A_27 = arith.constant 0 : index
    %swap3A_28 = vector.load %arg7[%swap3A_26, %swap3A_27] : memref<2000x128xf32, #tpu.memory_space<vmem>>, vector<2000x128xf32>
    tpu.vector_store %arg7[%swap3A_26, %swap3A_27], %broadcast_in_dim3A_25 {strides = array<i32>} : memref<2000x128xf32, #tpu.memory_space<vmem>>, vector<2000x128xf32>,
    return
  }
  func.func @transform_0(%arg0: i32) -> (i32, i32) {
    %c0_i32 = arith.constant 0 : i32
    %c0_i32_0 = arith.constant 0 : i32
    return %arg0, %c0_i32 : i32, i32
  }
  func.func @transform_1(%arg0: i32) -> (i32, i32) {
    %c0_i32 = arith.constant 0 : i32
    %c0_i32_0 = arith.constant 0 : i32
    %c0_i32_1 = arith.constant 0 : i32
    return %c0_i32, %c0_i32_0 : i32, i32
  }
  func.func @transform_2(%arg0: i32) -> (i32, i32, i32) {
    %c0_i32 = arith.constant 0 : i32
    %c0_i32_0 = arith.constant 0 : i32
    %c0_i32_1 = arith.constant 0 : i32
    return %c0_i32, %arg0, %c0_i32_0 : i32, i32, i32
  }
  func.func @transform_3(%arg0: i32) -> (i32, i32, i32) {
    %c1_i32 = arith.constant 1 : i32
    %c0_i32 = arith.constant 0 : i32
    %c0_i32_0 = arith.constant 0 : i32
    return %c1_i32, %arg0, %c0_i32 : i32, i32, i32
  }
  func.func @transform_4(%arg0: i32) -> (i32, i32) {
    %c0_i32 = arith.constant 0 : i32
    %c0_i32_0 = arith.constant 0 : i32
    return %arg0, %c0_i32 : i32, i32
  }
  func.func @transform_5(%arg0: i32) -> (i32, i32) {
    %c0_i32 = arith.constant 0 : i32
    %c0_i32_0 = arith.constant 0 : i32
    return %arg0, %c0_i32 : i32, i32
  }
  func.func @transform_6(%arg0: i32) -> (i32, i32) {
    %c0_i32 = arith.constant 0 : i32
    %c0_i32_0 = arith.constant 0 : i32
    return %arg0, %c0_i32 : i32, i32
  }
}

module attributes {stable_mosaic.version = 14 : i64} {
  func.func @body(%arg0: i32, %arg1: memref<1x2000x128xf32, #tpu.memory_space<vmem>>, %arg2: memref<1x2000x128xf32, #tpu.memory_space<vmem>>, %arg3: memref<2000x128xf32, #tpu.memory_space<vmem>>, %arg4: memref<2000x128xf32, #tpu.memory_space<vmem>>, %arg5: memref<1x128xf32, #tpu.memory_space<vmem>>, %arg6: memref<128x128xf32, #tpu.memory_space<vmem>>, %arg7: memref<2000x128xf32, #tpu.memory_space<vmem>>, %arg8: memref<2000x128xf32, #tpu.memory_space<vmem>>) attributes {dimension_semantics = [#tpu.dimension_semantics<arbitrary>], iteration_bounds = array<i64: 5>, scalar_prefetch = 0 : i64, scratch_operands = 0 : i64, tpu.core_type = #tpu.core_type<tc>, window_params = [{transform_indices = @transform_0, window_bounds = array<i64: 1, 2000, 128>}, {transform_indices = @transform_1, window_bounds = array<i64: 1, 2000, 128>}, {transform_indices = @transform_2, window_bounds = array<i64: 2000, 128>}, {transform_indices = @transform_3, window_bounds = array<i64: 2000, 128>}, {pipeline_mode = #tpu.pipeline_mode<synchronous>, transform_indices = @transform_4, window_bounds = array<i64: 1, 128>}, {pipeline_mode = #tpu.pipeline_mode<synchronous>, transform_indices = @transform_5, window_bounds = array<i64: 128, 128>}, {transform_indices = @transform_6, window_bounds = array<i64: 2000, 128>}, {transform_indices = @transform_7, window_bounds = array<i64: 2000, 128>}]} {
    %get3A = arith.constant 0 : index
    %get3A_0 = arith.constant 0 : index
    %get3A_1 = vector.load %arg4[%get3A, %get3A_0] : memref<2000x128xf32, #tpu.memory_space<vmem>>, vector<2000x128xf32>
    %get3A_2 = arith.constant 0 : index
    %get3A_3 = arith.constant 0 : index
    %get3A_4 = arith.constant 0 : index
    %get3A_5 = vector.load %arg1[%get3A_2, %get3A_3, %get3A_4] : memref<1x2000x128xf32, #tpu.memory_space<vmem>>, vector<1x2000x128xf32>
    %get3A_6 = vector.shape_cast %get3A_5 : vector<1x2000x128xf32> to vector<2000x128xf32>
    %get3A_7 = arith.constant 0 : index
    %get3A_8 = arith.constant 0 : index
    %get3A_9 = arith.constant 0 : index
    %get3A_10 = vector.load %arg2[%get3A_7, %get3A_8, %get3A_9] : memref<1x2000x128xf32, #tpu.memory_space<vmem>>, vector<1x2000x128xf32>
    %get3A_11 = vector.shape_cast %get3A_10 : vector<1x2000x128xf32> to vector<2000x128xf32>
    %add3A = arith.addf %get3A_6, %get3A_11 : vector<2000x128xf32>
    %mul3A = arith.mulf %get3A_1, %add3A : vector<2000x128xf32>
    %mul3A_12 = arith.mulf %get3A_1, %get3A_1 : vector<2000x128xf32>
    %get3A_13 = arith.constant 0 : index
    %get3A_14 = arith.constant 0 : index
    %get3A_15 = vector.load %arg3[%get3A_13, %get3A_14] : memref<2000x128xf32, #tpu.memory_space<vmem>>, vector<2000x128xf32>
    %mul3A_16 = arith.mulf %mul3A_12, %get3A_15 : vector<2000x128xf32>
    %add3A_17 = arith.addf %mul3A, %mul3A_16 : vector<2000x128xf32>
    %get3A_18 = arith.constant 0 : index
    %get3A_19 = arith.constant 0 : index
    %get3A_20 = vector.load %arg5[%get3A_18, %get3A_19] : memref<1x128xf32, #tpu.memory_space<vmem>>, vector<1x128xf32>
    %add3A_21 = vector.broadcast %get3A_20 : vector<1x128xf32> to vector<2000x128xf32>
    %add3A_22 = arith.addf %add3A_17, %add3A_21 : vector<2000x128xf32>
    %max3A = arith.constant 0.000000e+00 : f32
    %max3A_23 = vector.broadcast %max3A : f32 to vector<2000x128xf32>
    %max3A_24 = arith.maximumf %add3A_22, %max3A_23 : vector<2000x128xf32>
    %get3A_25 = arith.constant 0 : index
    %get3A_26 = arith.constant 0 : index
    %get3A_27 = vector.load %arg6[%get3A_25, %get3A_26] : memref<128x128xf32, #tpu.memory_space<vmem>>, vector<128x128xf32>
    %dot_general3A = arith.constant dense<0.000000e+00> : vector<2000x128xf32>
    %dot_general3A_28 = tpu.matmul %max3A_24, %get3A_27, %dot_general3A {dimension_numbers = #tpu.dot_dimension_numbers<[1], [0], [0], [1], [0, 0, 1, 1], [], []>, transpose_lhs_hint = false} : vector<2000x128xf32>, vector<128x128xf32>, vector<2000x128xf32> -> vector<2000x128xf32>
    %swap3A = arith.constant 0 : index
    %swap3A_29 = arith.constant 0 : index
    %swap3A_30 = vector.load %arg7[%swap3A, %swap3A_29] : memref<2000x128xf32, #tpu.memory_space<vmem>>, vector<2000x128xf32>
    tpu.vector_store %arg7[%swap3A, %swap3A_29], %dot_general3A_28 {strides = array<i32>} : memref<2000x128xf32, #tpu.memory_space<vmem>>, vector<2000x128xf32>,
    %mul3A_31 = arith.mulf %dot_general3A_28, %get3A_1 : vector<2000x128xf32>
    %swap3A_32 = arith.constant 0 : index
    %swap3A_33 = arith.constant 0 : index
    %swap3A_34 = vector.load %arg8[%swap3A_32, %swap3A_33] : memref<2000x128xf32, #tpu.memory_space<vmem>>, vector<2000x128xf32>
    tpu.vector_store %arg8[%swap3A_32, %swap3A_33], %mul3A_31 {strides = array<i32>} : memref<2000x128xf32, #tpu.memory_space<vmem>>, vector<2000x128xf32>,
    return
  }
  func.func @transform_0(%arg0: i32) -> (i32, i32, i32) {
    %c0_i32 = arith.constant 0 : i32
    %c0_i32_0 = arith.constant 0 : i32
    %c0_i32_1 = arith.constant 0 : i32
    return %c0_i32, %arg0, %c0_i32_0 : i32, i32, i32
  }
  func.func @transform_1(%arg0: i32) -> (i32, i32, i32) {
    %c1_i32 = arith.constant 1 : i32
    %c0_i32 = arith.constant 0 : i32
    %c0_i32_0 = arith.constant 0 : i32
    return %c1_i32, %arg0, %c0_i32 : i32, i32, i32
  }
  func.func @transform_2(%arg0: i32) -> (i32, i32) {
    %c0_i32 = arith.constant 0 : i32
    %c0_i32_0 = arith.constant 0 : i32
    return %arg0, %c0_i32 : i32, i32
  }
  func.func @transform_3(%arg0: i32) -> (i32, i32) {
    %c0_i32 = arith.constant 0 : i32
    %c0_i32_0 = arith.constant 0 : i32
    return %arg0, %c0_i32 : i32, i32
  }
  func.func @transform_4(%arg0: i32) -> (i32, i32) {
    %c0_i32 = arith.constant 0 : i32
    %c0_i32_0 = arith.constant 0 : i32
    %c0_i32_1 = arith.constant 0 : i32
    return %c0_i32, %c0_i32_0 : i32, i32
  }
  func.func @transform_5(%arg0: i32) -> (i32, i32) {
    %c0_i32 = arith.constant 0 : i32
    %c0_i32_0 = arith.constant 0 : i32
    %c0_i32_1 = arith.constant 0 : i32
    return %c0_i32, %c0_i32_0 : i32, i32
  }
  func.func @transform_6(%arg0: i32) -> (i32, i32) {
    %c0_i32 = arith.constant 0 : i32
    %c0_i32_0 = arith.constant 0 : i32
    return %arg0, %c0_i32 : i32, i32
  }
  func.func @transform_7(%arg0: i32) -> (i32, i32) {
    %c0_i32 = arith.constant 0 : i32
    %c0_i32_0 = arith.constant 0 : i32
    return %arg0, %c0_i32 : i32, i32
  }
}

module attributes {stable_mosaic.version = 14 : i64} {
  func.func @body(%arg0: i32, %arg1: memref<1x2000x128xf32, #tpu.memory_space<vmem>>, %arg2: memref<1x2000x128xf32, #tpu.memory_space<vmem>>, %arg3: memref<2000x128xf32, #tpu.memory_space<vmem>>, %arg4: memref<2000x128xf32, #tpu.memory_space<vmem>>, %arg5: memref<1x128xf32, #tpu.memory_space<vmem>>, %arg6: memref<128x1xf32, #tpu.memory_space<vmem>>, %arg7: memref<1x1xf32, #tpu.memory_space<vmem>>, %arg8: memref<2000x1xf32, #tpu.memory_space<vmem>>) attributes {dimension_semantics = [#tpu.dimension_semantics<arbitrary>], iteration_bounds = array<i64: 5>, scalar_prefetch = 0 : i64, scratch_operands = 0 : i64, tpu.core_type = #tpu.core_type<tc>, window_params = [{transform_indices = @transform_0, window_bounds = array<i64: 1, 2000, 128>}, {transform_indices = @transform_1, window_bounds = array<i64: 1, 2000, 128>}, {transform_indices = @transform_2, window_bounds = array<i64: 2000, 128>}, {transform_indices = @transform_3, window_bounds = array<i64: 2000, 128>}, {pipeline_mode = #tpu.pipeline_mode<synchronous>, transform_indices = @transform_4, window_bounds = array<i64: 1, 128>}, {pipeline_mode = #tpu.pipeline_mode<synchronous>, transform_indices = @transform_5, window_bounds = array<i64: 128, 1>}, {pipeline_mode = #tpu.pipeline_mode<synchronous>, transform_indices = @transform_6, window_bounds = array<i64: 1, 1>}, {transform_indices = @transform_7, window_bounds = array<i64: 2000, 1>}]} {
    %get3A = arith.constant 0 : index
    %get3A_0 = arith.constant 0 : index
    %get3A_1 = vector.load %arg4[%get3A, %get3A_0] : memref<2000x128xf32, #tpu.memory_space<vmem>>, vector<2000x128xf32>
    %get3A_2 = arith.constant 0 : index
    %get3A_3 = arith.constant 0 : index
    %get3A_4 = arith.constant 0 : index
    %get3A_5 = vector.load %arg1[%get3A_2, %get3A_3, %get3A_4] : memref<1x2000x128xf32, #tpu.memory_space<vmem>>, vector<1x2000x128xf32>
    %get3A_6 = vector.shape_cast %get3A_5 : vector<1x2000x128xf32> to vector<2000x128xf32>
    %get3A_7 = arith.constant 0 : index
    %get3A_8 = arith.constant 0 : index
    %get3A_9 = arith.constant 0 : index
    %get3A_10 = vector.load %arg2[%get3A_7, %get3A_8, %get3A_9] : memref<1x2000x128xf32, #tpu.memory_space<vmem>>, vector<1x2000x128xf32>
    %get3A_11 = vector.shape_cast %get3A_10 : vector<1x2000x128xf32> to vector<2000x128xf32>
    %add3A = arith.addf %get3A_6, %get3A_11 : vector<2000x128xf32>
    %mul3A = arith.mulf %get3A_1, %add3A : vector<2000x128xf32>
    %mul3A_12 = arith.mulf %get3A_1, %get3A_1 : vector<2000x128xf32>
    %get3A_13 = arith.constant 0 : index
    %get3A_14 = arith.constant 0 : index
    %get3A_15 = vector.load %arg3[%get3A_13, %get3A_14] : memref<2000x128xf32, #tpu.memory_space<vmem>>, vector<2000x128xf32>
    %mul3A_16 = arith.mulf %mul3A_12, %get3A_15 : vector<2000x128xf32>
    %add3A_17 = arith.addf %mul3A, %mul3A_16 : vector<2000x128xf32>
    %get3A_18 = arith.constant 0 : index
    %get3A_19 = arith.constant 0 : index
    %get3A_20 = vector.load %arg5[%get3A_18, %get3A_19] : memref<1x128xf32, #tpu.memory_space<vmem>>, vector<1x128xf32>
    %add3A_21 = vector.broadcast %get3A_20 : vector<1x128xf32> to vector<2000x128xf32>
    %add3A_22 = arith.addf %add3A_17, %add3A_21 : vector<2000x128xf32>
    %max3A = arith.constant 0.000000e+00 : f32
    %max3A_23 = vector.broadcast %max3A : f32 to vector<2000x128xf32>
    %max3A_24 = arith.maximumf %add3A_22, %max3A_23 : vector<2000x128xf32>
    %get3A_25 = arith.constant 0 : index
    %get3A_26 = arith.constant 0 : index
    %get3A_27 = vector.load %arg6[%get3A_25, %get3A_26] : memref<128x1xf32, #tpu.memory_space<vmem>>, vector<128x1xf32>
    %dot_general3A = arith.constant dense<0.000000e+00> : vector<2000x1xf32>
    %dot_general3A_28 = tpu.matmul %max3A_24, %get3A_27, %dot_general3A {dimension_numbers = #tpu.dot_dimension_numbers<[1], [0], [0], [1], [0, 0, 1, 1], [], []>, transpose_lhs_hint = false} : vector<2000x128xf32>, vector<128x1xf32>, vector<2000x1xf32> -> vector<2000x1xf32>
    %get3A_29 = arith.constant 0 : index
    %get3A_30 = arith.constant 0 : index
    %get3A_31 = vector.load %arg7[%get3A_29, %get3A_30] : memref<1x1xf32, #tpu.memory_space<vmem>>, vector<1x1xf32>
    %add3A_32 = vector.broadcast %get3A_31 : vector<1x1xf32> to vector<2000x1xf32>
    %add3A_33 = arith.addf %dot_general3A_28, %add3A_32 : vector<2000x1xf32>
    %swap3A = arith.constant 0 : index
    %swap3A_34 = arith.constant 0 : index
    %swap3A_35 = vector.load %arg8[%swap3A, %swap3A_34] : memref<2000x1xf32, #tpu.memory_space<vmem>>, vector<2000x1xf32>
    tpu.vector_store %arg8[%swap3A, %swap3A_34], %add3A_33 {strides = array<i32>} : memref<2000x1xf32, #tpu.memory_space<vmem>>, vector<2000x1xf32>,
    return
  }
  func.func @transform_0(%arg0: i32) -> (i32, i32, i32) {
    %c0_i32 = arith.constant 0 : i32
    %c0_i32_0 = arith.constant 0 : i32
    %c0_i32_1 = arith.constant 0 : i32
    return %c0_i32, %arg0, %c0_i32_0 : i32, i32, i32
  }
  func.func @transform_1(%arg0: i32) -> (i32, i32, i32) {
    %c1_i32 = arith.constant 1 : i32
    %c0_i32 = arith.constant 0 : i32
    %c0_i32_0 = arith.constant 0 : i32
    return %c1_i32, %arg0, %c0_i32 : i32, i32, i32
  }
  func.func @transform_2(%arg0: i32) -> (i32, i32) {
    %c0_i32 = arith.constant 0 : i32
    %c0_i32_0 = arith.constant 0 : i32
    return %arg0, %c0_i32 : i32, i32
  }
  func.func @transform_3(%arg0: i32) -> (i32, i32) {
    %c0_i32 = arith.constant 0 : i32
    %c0_i32_0 = arith.constant 0 : i32
    return %arg0, %c0_i32 : i32, i32
  }
  func.func @transform_4(%arg0: i32) -> (i32, i32) {
    %c0_i32 = arith.constant 0 : i32
    %c0_i32_0 = arith.constant 0 : i32
    %c0_i32_1 = arith.constant 0 : i32
    return %c0_i32, %c0_i32_0 : i32, i32
  }
  func.func @transform_5(%arg0: i32) -> (i32, i32) {
    %c0_i32 = arith.constant 0 : i32
    %c0_i32_0 = arith.constant 0 : i32
    %c0_i32_1 = arith.constant 0 : i32
    return %c0_i32, %c0_i32_0 : i32, i32
  }
  func.func @transform_6(%arg0: i32) -> (i32, i32) {
    %c0_i32 = arith.constant 0 : i32
    %c0_i32_0 = arith.constant 0 : i32
    %c0_i32_1 = arith.constant 0 : i32
    return %c0_i32, %c0_i32_0 : i32, i32
  }
  func.func @transform_7(%arg0: i32) -> (i32, i32) {
    %c0_i32 = arith.constant 0 : i32
    %c0_i32_0 = arith.constant 0 : i32
    return %arg0, %c0_i32 : i32, i32
  }
}

</mosaic_0001>

<sc_bundles>
// kernel: kernel.11.cloned.1.call-start
scs
__scs_entry_jumppad:
0x0: {  	(pc) =	sbr.rel $0x88, $3  }
0x1: {  	(tag) =	ssettag $0x0;
	lr =	simm.s32 $0x1  }
0x2: {  	[smem:$0x3F99] =	sst lr;
	_ =	strace $0xD0000000  }
0x3: {  	_ = 	snop  }
0x4: {  	_ = 	snop  }
0x5: {  	_ = 	snop  }
0x6: {  	_ = 	snop  }
0x7: {  	_ = 	snop  }
__scs_overlays_trampoline_lowered:
0x8: {  	[smem:$0x3FA8] =	sst s0  }
0x9: {  	[smem:$0x3FA9] =	sst s1  }
0xa: {  	[smem:$0x3FAA] =	sst s2  }
0xb: {  	[smem:$0x3FAB] =	sst s3  }
0xc: {  	[smem:$0x3FAC] =	sst s4  }
0xd: {  	[smem:$0x3FAD] =	sst s5  }
0xe: {  	[smem:$0x3FAE] =	sst s6  }
0xf: {  	[smem:$0x3FAF] =	sst s7  }
0x10: {  	[smem:$0x3FB0] =	sst s8  }
0x11: {  	[smem:$0x3FB1] =	sst s9;
	s0 =	simm.s32 @!p0 $0x0  }
0x12: {  	s1 =	sld [smem:$0x3F97];
	s0 =	simm.s32 @p0 $0x1  }
0x13: {  	[smem:$0x3FB2] =	sst s0;
	s0 =	simm.s32 @!p1 $0x0  }
0x14: {  	s2 =	sld [smem:$0x3F96];
	s0 =	simm.s32 @p1 $0x1  }
0x15: {  	[smem:$0x3FB3] =	sst s0;
	s0 =	simm.s32 @!p2 $0x0  }
0x16: {  	s3 =	sld [smem:$0x3FDB];
	s0 =	simm.s32 @p2 $0x1  }
0x17: {  	s4 =	simm.s32 $0x1BF5;
	[smem:$0x3FB5] =	sst s0  }
0x18: {  	s0 =	sld [smem:$0x3F98];
	_ =	swait.ge [sflag:s4], $0x0  }
0x19: {  	s7 =	sld [smem:$0x3F99]  }
0x1a: {  	s8 =	sadd.s32 $0xFFFFE003, lr  }
0x1b: {  	s9 =	sadd.s32 $0xFFFFFEF7, lr;
	s5 =	simm.s32 $0xFFFFFFFF;
	p2 =	slt.u32 s8, $0xFFFFF086  }
0x1c: {  	p1 =	slt.u32 s9, $0xF7A;
	s5 =	simm.s32 @!p2 $0x0  }
0x1d: {  	s5 =	simm.s32 @p1 $0x1;
	p0 =	seq.s32 s7, s2  }
0x1e: {  	s7 =	smul.u32 @!p0 $0xF7A, s2;
	p2 =	seq.s32 @!p0 s5, $0x0  }
0x1f: {  	s9 =	smul.u32 $0xF7A, s1;
	s8 =	simm.s32 @!p0 $0x1BF5;
	p2 =	por !p2, p0  }
0x20: {  	[sflag:s8] =	ssyncset.s32 @!p0 $0xFFFFF086;
	s6 =	sadd.s32 @!p0 s3, s7;
	s7 =	simm.s32 @!p0 $0x108  }
0x21: {  	s3 =	sadd.s32 s3, s9;
	s6 =	sadd.s32 @!p0 $0x88, s6;
	s7 =	simm.s32 @p2 $0x1082  }
0x22: {  	[simem:s7], [sflag:s8] =	dma.local @!p0 [hbm:s6], $0xF7A  }
0x23: {  	s9 =	sor.u32 $0xD0000000, s2;
	s6 =	simm.s32 $0x108;
	_ =	swait.ge @!p0 [sflag:s8], $0x0  }
0x24: {  	s3 =	sadd.s32 $0x88, s3;
	s6 =	simm.s32 @!p1 $0x1082;
	[sflag:s4] =	ssyncset.s32 $0xFFFFF086  }
0x25: {  	[simem:s6], [sflag:s4] =	dma.local [hbm:s3], $0xF7A  }
0x26: {  	[smem:$0x3F99] =	sst s1;
	(tag) =	ssettag s2;
	_ =	strace s9  }
0x27: {  	s1 =	sld [smem:$0x3FA9]  }
0x28: {  	s2 =	sld [smem:$0x3FAA]  }
0x29: {  	s4 =	sld [smem:$0x3FAC]  }
0x2a: {  	p0 =	seq.s32 s5, $0x0;
	s5 =	sld [smem:$0x3FAD]  }
0x2b: {  	s6 =	sld [smem:$0x3FAE]  }
0x2c: {  	s7 =	sld [smem:$0x3FAF]  }
0x2d: {  	s3 =	simm.s32 $0x108;
	s8 =	sld [smem:$0x3FB0]  }
0x2e: {  	s3 =	simm.s32 @!p0 $0x1082;
	s9 =	sld [smem:$0x3FB1]  }
0x2f: {  	lr =	sadd.s32 s0, s3;
	s0 =	sld [smem:$0x3FA8]  }
0x30: {  	s3 =	sld [smem:$0x3FAB]  }
0x31: {  	[smem:$0x3FB4] =	sst s10  }
0x32: {  	s10 =	sld [smem:$0x3FB2];
	_ =	sdelay $0x3  }
0x33: {  	p0 =	seq.s32 s10, $0x1;
	s10 =	sld [smem:$0x3FB4];
	_ =	sdelay $0x3  }
0x34: {  	[smem:$0x3FB4] =	sst s10  }
0x35: {  	s10 =	sld [smem:$0x3FB3];
	_ =	sdelay $0x3  }
0x36: {  	p1 =	seq.s32 s10, $0x1;
	s10 =	sld [smem:$0x3FB4];
	_ =	sdelay $0x3  }
0x37: {  	[smem:$0x3FB4] =	sst s10  }
0x38: {  	s10 =	sld [smem:$0x3FB5]  }
0x39: {  	_ = 	snop;
	(pc) =	sbr.ind lr, $3  }
0x3a: {  	_ = 	snop  }
0x3b: {  	_ = 	snop  }
0x3c: {  	p2 =	seq.s32 s10, $0x1;
	s10 =	sld [smem:$0x3FB4]  }
0x3d: {  	_ =	shalt  }
0x3e: {  	_ =	shalt  }
0x3f: {  	_ =	shalt  }
0x40: {  	_ =	shalt  }
0x41: {  	_ =	shalt  }
0x42: {  	_ =	shalt  }
0x43: {  	_ =	shalt  }
0x44: {  	_ =	shalt  }
0x45: {  	_ =	shalt  }
0x46: {  	_ =	shalt  }
0x47: {  	_ =	shalt  }
0x48: {  	_ =	shalt  }
0x49: {  	_ =	shalt  }
0x4a: {  	_ =	shalt  }
0x4b: {  	_ =	shalt  }
0x4c: {  	_ =	shalt  }
0x4d: {  	_ =	shalt  }
0x4e: {  	_ =	shalt  }
0x4f: {  	_ =	shalt  }
0x50: {  	_ =	shalt  }
0x51: {  	_ =	shalt  }
0x52: {  	_ =	shalt  }
0x53: {  	_ =	shalt  }
0x54: {  	_ =	shalt  }
0x55: {  	_ =	shalt  }
0x56: {  	_ =	shalt  }
0x57: {  	_ =	shalt  }
0x58: {  	_ =	shalt  }
0x59: {  	_ =	shalt  }
0x5a: {  	_ =	shalt  }
0x5b: {  	_ =	shalt  }
0x5c: {  	_ =	shalt  }
0x5d: {  	_ =	shalt  }
0x5e: {  	_ =	shalt  }
0x5f: {  	_ =	shalt  }
0x60: {  	_ =	shalt  }
0x61: {  	_ =	shalt  }
0x62: {  	_ =	shalt  }
0x63: {  	_ =	shalt  }
0x64: {  	_ =	shalt  }
0x65: {  	_ =	shalt  }
0x66: {  	_ =	shalt  }
0x67: {  	_ =	shalt  }
0x68: {  	_ =	shalt  }
0x69: {  	_ =	shalt  }
0x6a: {  	_ =	shalt  }
0x6b: {  	_ =	shalt  }
0x6c: {  	_ =	shalt  }
0x6d: {  	_ =	shalt  }
0x6e: {  	_ =	shalt  }
0x6f: {  	_ =	shalt  }
0x70: {  	_ =	shalt  }
0x71: {  	_ =	shalt  }
0x72: {  	_ =	shalt  }
0x73: {  	_ =	shalt  }
0x74: {  	_ =	shalt  }
0x75: {  	_ =	shalt  }
0x76: {  	_ =	shalt  }
0x77: {  	_ =	shalt  }
0x78: {  	_ =	shalt  }
0x79: {  	_ =	shalt  }
0x7a: {  	_ =	shalt  }
0x7b: {  	_ =	shalt  }
0x7c: {  	_ =	shalt  }
0x7d: {  	_ =	shalt  }
0x7e: {  	_ =	shalt  }
0x7f: {  	_ =	shalt  }
0x80: {  	_ =	shalt  }
0x81: {  	_ =	shalt  }
0x82: {  	_ =	shalt  }
0x83: {  	_ =	shalt  }
0x84: {  	_ =	shalt  }
0x85: {  	_ =	shalt  }
0x86: {  	_ =	shalt  }
0x87: {  	_ =	shalt  }
.Lfunc_end0:
.L_simem_size_0:
called_computation.1_lowered:
.L_overlay_start_0:
0x88: {  	s2 =	sld [smem:$0x3FD9]  }
0x89: {  	s3 =	sld [smem:$0x3FFE];
	_ =	sdelay $0x1  }
0x8a: {  	s1 =	srdreg.scid  }
0x8b: {  	s0 =	sand.u32 $0x1, s1  }
0x8c: {  	s16 =	sshll.u32 s0, $0xA;
	s2 =	sadd.s32 s3, s2  }
0x8d: {  	s2 =	sadd.s32 s2, s16  }
0x8e: {  	[smem:$0x3FC0] =	sst s2  }
0x8f: {  	_ = 	snop  }
0x90: {  	(tm) =	ssettm $0x1  }
0x91: {  	s17 =	sld [smem:$0x3FFB];
	_ =	sdelay $0x3  }
0x92: {  	_ =	strace s17  }
0x93: {  	s2 =	sld [smem:$0x3FFC];
	_ =	sdelay $0x3  }
0x94: {  	_ =	strace s2  }
0x95: {  	s2 =	sld [smem:$0x3FFD];
	_ =	sdelay $0x3  }
0x96: {  	_ =	strace s2  }
0x97: {  	_ =	strace $0x8FFFFFFF  }
0x98: {  	s18 =	sld [smem:$0x3FDB];
	_ =	sdelay $0x1  }
0x99: {  	s19 =	simm.s32 $_scs_section_size  }
0x9a: {  	s4 =	simm.s32 $_size__tile_overlayer_lowered;
	s5 =	simm.s32 $_tile_overlayer_lowered  }
0x9b: {  	s22 =	simm.s32 $0x1BFF;
	s21 =	sshll.u32 s5, $0x1;
	s2 =	sadd.s32 s19, s18  }
0x9c: {  	s6 =	simm.s32 $0x0;
	s20 =	sshll.u32 s4, $0x1;
	s4 =	sadd.s32 s21, s2  }
0x9d: {  	[timem:s6], [sflag:s22] =	dma.local [hbm:s4], s20  }
0x9e: {  	_ =	swait.ge [sflag:s22], s20  }
0x9f: {  	s3 =	ssub.s32 $0x0, s20;
	[sflag:s22] =	ssyncset.done $0x0  }
0xa0: {  	[sflag:s22] =	ssyncadd.s32 s3;
	_ =	sdelay $0x1  }
0xa1: {  	s23 =	simm.s32 $0x1B8B  }
0xa2: {  	_ =	swait.ge [sflag:s23], $0x1  }
0xa3: {  	[sflag:s23] =	ssyncset.done $0x0  }
0xa4: {  	s25 =	simm.s32 $0x1B8E;
	s24 =	sld [smem:$0x3FFE];
	[sflag:s23] =	ssyncadd.s32 $0xFFFFFFFF  }
0xa5: {  	s26 =	simm.s32 $execute0_lowered;
	[smem:$0x3FD2] =	sst s25  }
0xa6: {  	s4 =	sshll.u32 s26, $0x1;
	_ =	strace $0x80000049;
	[dreg:$0x1] =	wrdreg $0xFFFFFFFF  }
0xa7: {  	s28 =	simm.s32 $_size_execute0_lowered;
	s2 =	sadd.s32 s2, s4;
	[dreg:$0x0] =	wrdreg $0x0  }
0xa8: {  	s4 =	sshll.u32 s28, $0x1;
	[dreg:$0x2] =	wrdreg s2  }
0xa9: {  	[dreg:$0x3] =	wrdreg s4  }
0xaa: {  	[dreg:$0x4] =	wrdreg $0xC0  }
0xab: {  	_ =	task [dreg:s6], $0x5FFFF  }
0xac: {  	[dreg:$0x1] =	wrdreg $0xFFFFFFFF  }
0xad: {  	[dreg:$0x0] =	wrdreg $0x60  }
0xae: {  	[dreg:$0x2] =	wrdreg s24  }
0xaf: {  	[dreg:$0x3] =	wrdreg $0x90000  }
0xb0: {  	[dreg:$0x4] =	wrdreg $0x9  }
0xb1: {  	_ =	task.clear_ibuf [dreg:s6], $0x5FFFF;
	_ =	strace $0x90000049  }
0xb2: {  	s29 =	simm.s32 $0x9;
	_ =	strace $0x8000004B  }
0xb3: {  	_ =	swait.ge [sflag:s29], $0x1  }
0xb4: {  	[sflag:s29] =	ssyncadd.s32 $0xFFFFFFFF  }
0xb5: {  	_ =	strace $0x9000004B  }
0xb6: {  	_ =	sfence  }
0xb7: {  	s30 =	sld [smem:$0x0];
	_ =	sdelay $0x2  }
0xb8: {  	s31 =	sshll.u32 s1, $0xD;
	s1 =	sshrl.u32 s1, $0x2  }
0xb9: {  	s3 =	sand.u32 $0x4000, s31;
	s1 =	sadd.s32 s1, s30  }
0xba: {  	s0 =	sor.u32 s3, s0;
	s1 =	sshll.u32 s1, $0x11  }
0xbb: {  	s0 =	sor.u32 s1, s0  }
0xbc: {  	s0 =	sadd.s32 $0x8F2B, s0  }
0xbd: {  	[sflag:s0] =	ssyncadd.remote.s32 $0x1  }
0xbe: {  	_ =	sfence.sel $0xFFFF  }
0xbf: {  	[dreg:$0x0] =	wrdreg $0xFFFFFFFF;
	(pc) =	sbr.abs _section_cstart, $3  }
0xc0: {  	[dreg:$0x1] =	wrdreg $0xFFFFFFFF  }
0xc1: {  	_ =	task.clear_ibuf [dreg:s6], $0x2FFFF;
	_ =	strace $0x9FFFFFFF  }
0xc2: {  	(tm) =	ssettm $0x7FFFFFFF  }
0xc3: {  	_ =	shalt  }
tec
execute0_lowered:
.L_overlay_start_1:
0x0: {  	(tag) =	ssettag $0x1  }
0x1: {  	s6 =	rddreg [dreg:$0x0]  }
0x2: {  	s0 =	srdreg.scid;
	s2 =	rddreg [dreg:$0x1]  }
0x3: {  	s3 =	simm.s32 $0x0;
	s5 =	sand.u32 $0x1, s0;
	s0 =	stileid.u32  }
0x4: {  	s13 =	simm.s32 $0x80;
	s14 =	simm.s32 $0x5000;
	s16 =	smul.u32 $0x2800, s0  }
0x5: {  	s15 =	simm.s32 $0x1;
	[smem:$0x7FF] =	sst s3;
	s8 =	smul.u32 $0x28000, s5  }
0x6: {  	s1 =	sshll.u32 s5, $0x4;
	s5 =	ssub.s32 $0x2, s5;
	s9 =	smul.u32 $0x50000, s0  }
0x7: {  	s31 =	sshll.u32 s0, $0x6;
	s4 =	sor.u32 s0, s1;
	s1 =	rddreg [dreg:$0x2]  }
0x8: {  	_ =	strace $0x8000004A;
	s30 =	sshrl.u32 s5, $0x1;
	s7 =	smul.u32 $0x500, s4  }
0x9: {  	s4 =	sadd.s32 $0x16000, s6;
	s10 =	sadd.s32 s16, s6;
	s9 =	sshrl.u32 s9, $0x2  }
0xa: {  	s8 =	sadd.s32 s8, s6;
	s11 =	ssub.s32 s5, s30;
	s12 =	sadd.s32 s9, s2  }
0xb: {  	s17 =	sadd.s32 $0x65200, s8;
	s8 =	smax.u32 s11, $0x1;
	s9 =	simm.s32 $0x2  }
0xc: {  	s11 =	sor.u32 $0x1C02, s31;
	s7 =	sadd.s32 s7, s6;
	s12 =	sshrl.u32 s12, $0x3  }
0xd: {  	s16 =	sadd.s32 s16, s17;
	s17 =	simm.s32 $0x0;
	s5 =	sadd.s32 $0xC000, s7  }
0xe: {  	s6 =	sadd.s32 $0x2000, s7;
	s7 =	sadd.s32 $0x3D200, s10;
	s10 =	simm.s32 $0x2800  }
.LBB2_1:
0xf: {  	[tilespmem:s3], [sflag:$0x2] =	stream.linear.gather [hbm4b:s5+s3], $0x2800, $0x38;
	[tilespmem:$0x1D000] =	vst v63  }
0x10: {  	_ =	swait.ge [sflag:s9], $0x2800  }
0x11: {  	[sflag:s9] =	ssyncset.done $0x0  }
0x12: {  	[sflag:s9] =	ssyncadd.s32 $0xFFFFD800  }
0x13: {  	[tilespmem:s10], [sflag:$0x2] =	stream.linear.gather [hbm4b:s6+s3], $0x2800, $0x38;
	[tilespmem:$0x1D000] =	vst v63  }
0x14: {  	_ =	swait.ge [sflag:s9], $0x2800  }
0x15: {  	[sflag:s9] =	ssyncset.done $0x0  }
0x16: {  	[sflag:s9] =	ssyncadd.s32 $0xFFFFD800  }
0x17: {  	[spmem:s12], [sflag:s11] =	dma.local [hbm:s7], $0x2800  }
0x18: {  	_ =	swait.ge [sflag:s9], $0x2800  }
0x19: {  	[sflag:s9] =	ssyncset.done $0x0  }
0x1a: {  	[sflag:s9] =	ssyncadd.s32 $0xFFFFD800  }
0x1b: {  	s18 =	simm.s32 $0x0;
	[bflag:$0x0] =	sbarrier.arrive $0xFFFF  }
0x1c: {  	[tilespmem:s14], [sflag:$0x1] =	stream.indirect.gather [hbm4b:s4+s13], $0x80, s18, s13, $0xb8;
	[tilespmem:$0x1D000] =	vst v63  }
0x1d: {  	_ =	swait.ge [sflag:s15], $0x4000  }
0x1e: {  	[sflag:s15] =	ssyncset.done $0x0  }
0x1f: {  	s24 =	simm.s32 $0x2800;
	[sflag:s15] =	ssyncadd.s32 $0xFFFFC000  }
0x20: {  	[spmem:s2] =	stream.indirect.scatter.add.f32 [tilespmem:s14], [sflag:$0x2], $0x80, s24, s13, $0xb8;
	[tilespmem:$0x1D000] =	vst v63  }
0x21: {  	_ =	swait.ge [sflag:s9], $0x4000  }
0x22: {  	[sflag:s9] =	ssyncset.done $0x0  }
0x23: {  	s25 =	simm.s32 $0x80;
	[sflag:s9] =	ssyncadd.s32 $0xFFFFC000  }
0x24: {  	[tilespmem:s14], [sflag:$0x1] =	stream.indirect.gather [hbm4b:s4+s13], $0x80, s25, s13, $0xb8;
	[tilespmem:$0x1D000] =	vst v63  }
0x25: {  	_ =	swait.ge [sflag:s15], $0x4000  }
0x26: {  	[sflag:s15] =	ssyncset.done $0x0  }
0x27: {  	s26 =	simm.s32 $0x2880;
	[sflag:s15] =	ssyncadd.s32 $0xFFFFC000  }
0x28: {  	[spmem:s2] =	stream.indirect.scatter.add.f32 [tilespmem:s14], [sflag:$0x2], $0x80, s26, s13, $0xb8;
	[tilespmem:$0x1D000] =	vst v63  }
0x29: {  	_ =	swait.ge [sflag:s9], $0x4000  }
0x2a: {  	[sflag:s9] =	ssyncset.done $0x0  }
0x2b: {  	s28 =	simm.s32 $0x100;
	[sflag:s9] =	ssyncadd.s32 $0xFFFFC000  }
0x2c: {  	[tilespmem:s14], [sflag:$0x1] =	stream.indirect.gather [hbm4b:s4+s13], $0x80, s28, s13, $0xb8;
	[tilespmem:$0x1D000] =	vst v63  }
0x2d: {  	_ =	swait.ge [sflag:s15], $0x4000  }
0x2e: {  	[sflag:s15] =	ssyncset.done $0x0  }
0x2f: {  	s29 =	simm.s32 $0x2900;
	[sflag:s15] =	ssyncadd.s32 $0xFFFFC000  }
0x30: {  	[spmem:s2] =	stream.indirect.scatter.add.f32 [tilespmem:s14], [sflag:$0x2], $0x80, s29, s13, $0xb8;
	[tilespmem:$0x1D000] =	vst v63  }
0x31: {  	_ =	swait.ge [sflag:s9], $0x4000  }
0x32: {  	[sflag:s9] =	ssyncset.done $0x0  }
0x33: {  	s30 =	simm.s32 $0x180;
	[sflag:s9] =	ssyncadd.s32 $0xFFFFC000  }
0x34: {  	[tilespmem:s14], [sflag:$0x1] =	stream.indirect.gather [hbm4b:s4+s13], $0x80, s30, s13, $0xb8;
	[tilespmem:$0x1D000] =	vst v63  }
0x35: {  	_ =	swait.ge [sflag:s15], $0x4000  }
0x36: {  	[sflag:s15] =	ssyncset.done $0x0  }
0x37: {  	s31 =	simm.s32 $0x2980;
	[sflag:s15] =	ssyncadd.s32 $0xFFFFC000  }
0x38: {  	[spmem:s2] =	stream.indirect.scatter.add.f32 [tilespmem:s14], [sflag:$0x2], $0x80, s31, s13, $0xb8;
	[tilespmem:$0x1D000] =	vst v63  }
0x39: {  	_ =	swait.ge [sflag:s9], $0x4000  }
0x3a: {  	s21 =	simm.s32 $0x1000;
	s18 =	simm.s32 $0x800;
	[sflag:s9] =	ssyncset.done $0x0  }
.LBB2_2:
0x3b: {  	s20 =	sshra.s32 s18, $0x2  }
0x3c: {  	[sflag:s9] =	ssyncadd.s32 $0xFFFFC000;
	s18 =	smov.u32 s21;
	s19 =	sadd.s32 $0x800, s21  }
0x3d: {  	[tilespmem:s14], [sflag:$0x1] =	stream.indirect.gather [hbm4b:s4+s13], $0x80, s20, s13, $0xb8;
	[tilespmem:$0x1D000] =	vst v63  }
0x3e: {  	p0 =	sne.s32 s21, $0x9800;
	_ =	swait.ge [sflag:s15], $0x4000  }
0x3f: {  	[sflag:s15] =	ssyncset.done $0x0  }
0x40: {  	s21 =	sadd.s32 $0x2800, s20;
	[sflag:s15] =	ssyncadd.s32 $0xFFFFC000  }
0x41: {  	[spmem:s2] =	stream.indirect.scatter.add.f32 [tilespmem:s14], [sflag:$0x2], $0x80, s21, s13, $0xb8;
	[tilespmem:$0x1D000] =	vst v63  }
0x42: {  	_ =	swait.ge [sflag:s9], $0x4000  }
0x43: {  	[sflag:s9] =	ssyncset.done $0x0  }
0x44: {  	s21 =	sadd.s32 $0x80, s20;
	[sflag:s9] =	ssyncadd.s32 $0xFFFFC000  }
0x45: {  	[tilespmem:s14], [sflag:$0x1] =	stream.indirect.gather [hbm4b:s4+s13], $0x80, s21, s13, $0xb8;
	[tilespmem:$0x1D000] =	vst v63  }
0x46: {  	_ =	swait.ge [sflag:s15], $0x4000  }
0x47: {  	[sflag:s15] =	ssyncset.done $0x0  }
0x48: {  	s21 =	sadd.s32 $0x2880, s20;
	[sflag:s15] =	ssyncadd.s32 $0xFFFFC000  }
0x49: {  	[spmem:s2] =	stream.indirect.scatter.add.f32 [tilespmem:s14], [sflag:$0x2], $0x80, s21, s13, $0xb8;
	[tilespmem:$0x1D000] =	vst v63  }
0x4a: {  	_ =	swait.ge [sflag:s9], $0x4000  }
0x4b: {  	[sflag:s9] =	ssyncset.done $0x0  }
0x4c: {  	s21 =	sadd.s32 $0x100, s20;
	[sflag:s9] =	ssyncadd.s32 $0xFFFFC000  }
0x4d: {  	[tilespmem:s14], [sflag:$0x1] =	stream.indirect.gather [hbm4b:s4+s13], $0x80, s21, s13, $0xb8;
	[tilespmem:$0x1D000] =	vst v63  }
0x4e: {  	_ =	swait.ge [sflag:s15], $0x4000  }
0x4f: {  	[sflag:s15] =	ssyncset.done $0x0  }
0x50: {  	s21 =	sadd.s32 $0x2900, s20;
	[sflag:s15] =	ssyncadd.s32 $0xFFFFC000  }
0x51: {  	[spmem:s2] =	stream.indirect.scatter.add.f32 [tilespmem:s14], [sflag:$0x2], $0x80, s21, s13, $0xb8;
	[tilespmem:$0x1D000] =	vst v63  }
0x52: {  	_ =	swait.ge [sflag:s9], $0x4000  }
0x53: {  	[sflag:s9] =	ssyncset.done $0x0  }
0x54: {  	s21 =	sadd.s32 $0x180, s20;
	[sflag:s9] =	ssyncadd.s32 $0xFFFFC000  }
0x55: {  	[tilespmem:s14], [sflag:$0x1] =	stream.indirect.gather [hbm4b:s4+s13], $0x80, s21, s13, $0xb8;
	[tilespmem:$0x1D000] =	vst v63  }
0x56: {  	_ =	swait.ge [sflag:s15], $0x4000  }
.Ltmp0:
0x57: {  	[sflag:s15] =	ssyncset.done $0x0;
	(pc) =	sbr.rel @p0 .LBB2_2-.Ltmp0, $4  }
0x58: {  	s20 =	sadd.s32 $0x2980, s20;
	[sflag:s15] =	ssyncadd.s32 $0xFFFFC000  }
0x59: {  	[spmem:s2] =	stream.indirect.scatter.add.f32 [tilespmem:s14], [sflag:$0x2], $0x80, s20, s13, $0xb8;
	[tilespmem:$0x1D000] =	vst v63  }
0x5a: {  	_ =	swait.ge [sflag:s9], $0x4000  }
0x5b: {  	s21 =	smov.u32 s19;
	[sflag:s9] =	ssyncset.done $0x0  }
0x5c: {  	s18 =	sshra.s32 s18, $0x2;
	[sflag:s9] =	ssyncadd.s32 $0xFFFFC000  }
0x5d: {  	[tilespmem:s14], [sflag:$0x1] =	stream.indirect.gather [hbm4b:s4+s13], $0x80, s18, s13, $0xb8;
	[tilespmem:$0x1D000] =	vst v63  }
0x5e: {  	_ =	swait.ge [sflag:s15], $0x4000  }
0x5f: {  	[sflag:s15] =	ssyncset.done $0x0  }
0x60: {  	s19 =	sadd.s32 $0x2800, s18;
	[sflag:s15] =	ssyncadd.s32 $0xFFFFC000  }
0x61: {  	[spmem:s2] =	stream.indirect.scatter.add.f32 [tilespmem:s14], [sflag:$0x2], $0x80, s19, s13, $0xb8;
	[tilespmem:$0x1D000] =	vst v63  }
0x62: {  	_ =	swait.ge [sflag:s9], $0x4000  }
0x63: {  	[sflag:s9] =	ssyncset.done $0x0  }
0x64: {  	s26 =	sadd.s32 $0x80, s18;
	[sflag:s9] =	ssyncadd.s32 $0xFFFFC000  }
0x65: {  	[tilespmem:s14], [sflag:$0x1] =	stream.indirect.gather [hbm4b:s4+s13], $0x80, s26, s13, $0xb8;
	[tilespmem:$0x1D000] =	vst v63  }
0x66: {  	_ =	swait.ge [sflag:s15], $0x4000  }
0x67: {  	[sflag:s15] =	ssyncset.done $0x0  }
0x68: {  	s28 =	sadd.s32 $0x2880, s18;
	[sflag:s15] =	ssyncadd.s32 $0xFFFFC000  }
0x69: {  	[spmem:s2] =	stream.indirect.scatter.add.f32 [tilespmem:s14], [sflag:$0x2], $0x80, s28, s13, $0xb8;
	[tilespmem:$0x1D000] =	vst v63  }
0x6a: {  	_ =	swait.ge [sflag:s9], $0x4000  }
0x6b: {  	[sflag:s9] =	ssyncset.done $0x0  }
0x6c: {  	s29 =	sadd.s32 $0x100, s18;
	[sflag:s9] =	ssyncadd.s32 $0xFFFFC000  }
0x6d: {  	[tilespmem:s14], [sflag:$0x1] =	stream.indirect.gather [hbm4b:s4+s13], $0x80, s29, s13, $0xb8;
	[tilespmem:$0x1D000] =	vst v63  }
0x6e: {  	_ =	swait.ge [sflag:s15], $0x4000  }
0x6f: {  	[sflag:s15] =	ssyncset.done $0x0  }
0x70: {  	s30 =	sadd.s32 $0x2900, s18;
	[sflag:s15] =	ssyncadd.s32 $0xFFFFC000  }
0x71: {  	[spmem:s2] =	stream.indirect.scatter.add.f32 [tilespmem:s14], [sflag:$0x2], $0x80, s30, s13, $0xb8;
	[tilespmem:$0x1D000] =	vst v63  }
0x72: {  	_ =	swait.ge [sflag:s9], $0x4000  }
0x73: {  	[sflag:s9] =	ssyncset.done $0x0  }
0x74: {  	s31 =	sadd.s32 $0x180, s18;
	[sflag:s9] =	ssyncadd.s32 $0xFFFFC000  }
0x75: {  	[tilespmem:s14], [sflag:$0x1] =	stream.indirect.gather [hbm4b:s4+s13], $0x80, s31, s13, $0xb8;
	[tilespmem:$0x1D000] =	vst v63  }
0x76: {  	_ =	swait.ge [sflag:s15], $0x4000  }
0x77: {  	[sflag:s15] =	ssyncset.done $0x0  }
0x78: {  	s18 =	sadd.s32 $0x2980, s18;
	[sflag:s15] =	ssyncadd.s32 $0xFFFFC000  }
0x79: {  	[spmem:s2] =	stream.indirect.scatter.add.f32 [tilespmem:s14], [sflag:$0x2], $0x80, s18, s13, $0xb8;
	[tilespmem:$0x1D000] =	vst v63  }
0x7a: {  	_ =	swait.ge [sflag:s9], $0x4000  }
0x7b: {  	s17 =	sadd.s32 $0x1, s17;
	[sflag:s9] =	ssyncset.done $0x0  }
0x7c: {  	p0 =	sne.s32 s17, s8;
	[sflag:s9] =	ssyncadd.s32 $0xFFFFC000  }
.Ltmp1:
0x7d: {  	[bflag:$0x0] =	sbarrier.arrive $0xFFFF;
	(pc) =	sbr.rel @p0 .LBB2_1-.Ltmp1, $4  }
0x7e: {  	[hbm:s16], [sflag:s11] =	dma.local [spmem:s12], $0x2800  }
0x7f: {  	_ =	swait.ge [sflag:s9], $0x2800  }
0x80: {  	[sflag:s9] =	ssyncset.done $0x0  }
0x81: {  	[sflag:s9] =	ssyncadd.s32 $0xFFFFD800  }
0x82: {  	_ =	sfence.sel $0x180000  }
0x83: {  	[bflag:$0x0] =	sbarrier.arrive $0xFFFF  }
0x84: {  	p0 =	sne.s32 s0, $0x0;
	_ =	strace $0x9000004A  }
0x85: {  	s0 =	sadd.s32 @!p0 $0x100000, s1;
	[bflag:$0x2] =	sbarrier.arrive $0xFFFF  }
0x86: {  	[sflag:s0] =	ssyncadd.tile.s32 @!p0 $0x1;
	_ =	shalt  }
.Lfunc_end2:
_tile_overlayer_lowered:
.L_overlay_start_2:
0x87: {  	(tag) =	ssettag $0x2  }
0x88: {  	s0 =	rddreg [dreg:$0x0];
	s2 =	stileid.u32  }
0x89: {  	s1 =	rddreg [dreg:$0x1];
	p0 =	sne.s32 s2, $0x0  }
0x8a: {  	s3 =	rddreg [dreg:$0x2];
	[bflag:$0x3] =	sbarrier.arrive $0xFFFF;
	s2 =	simm.s32 @!p0 $0x1C02  }
0x8b: {  	[timem:s3], [sflag:s2] =	dma.local @!p0 [hbm:s0], s1  }
0x8c: {  	s0 =	simm.s32 @!p0 $0x2  }
0x8d: {  	_ =	swait.ge @!p0 [sflag:s0], s1  }
0x8e: {  	s1 =	ssub.s32 @!p0 $0x0, s1;
	[sflag:s0] =	ssyncset.done @!p0 $0x0  }
0x8f: {  	[sflag:s0] =	ssyncadd.s32 @!p0 s1  }
0x90: {  	[bflag:$0x3] =	sbarrier.arrive $0xFFFF  }
0x91: {  	_ =	shalt  }

// kernel: kernel.14.cloned.1.call-start
scs
__scs_entry_jumppad:
0x0: {  	(pc) =	sbr.rel $0x88, $3  }
0x1: {  	(tag) =	ssettag $0x0;
	lr =	simm.s32 $0x1  }
0x2: {  	[smem:$0x3F99] =	sst lr;
	_ =	strace $0xD0000000  }
0x3: {  	_ = 	snop  }
0x4: {  	_ = 	snop  }
0x5: {  	_ = 	snop  }
0x6: {  	_ = 	snop  }
0x7: {  	_ = 	snop  }
__scs_overlays_trampoline_lowered:
0x8: {  	[smem:$0x3FA8] =	sst s0  }
0x9: {  	[smem:$0x3FA9] =	sst s1  }
0xa: {  	[smem:$0x3FAA] =	sst s2  }
0xb: {  	[smem:$0x3FAB] =	sst s3  }
0xc: {  	[smem:$0x3FAC] =	sst s4  }
0xd: {  	[smem:$0x3FAD] =	sst s5  }
0xe: {  	[smem:$0x3FAE] =	sst s6  }
0xf: {  	[smem:$0x3FAF] =	sst s7  }
0x10: {  	[smem:$0x3FB0] =	sst s8  }
0x11: {  	[smem:$0x3FB1] =	sst s9;
	s0 =	simm.s32 @!p0 $0x0  }
0x12: {  	s1 =	sld [smem:$0x3F97];
	s0 =	simm.s32 @p0 $0x1  }
0x13: {  	[smem:$0x3FB2] =	sst s0;
	s0 =	simm.s32 @!p1 $0x0  }
0x14: {  	s2 =	sld [smem:$0x3F96];
	s0 =	simm.s32 @p1 $0x1  }
0x15: {  	[smem:$0x3FB3] =	sst s0;
	s0 =	simm.s32 @!p2 $0x0  }
0x16: {  	s3 =	sld [smem:$0x3FDB];
	s0 =	simm.s32 @p2 $0x1  }
0x17: {  	s4 =	simm.s32 $0x1BF5;
	[smem:$0x3FB5] =	sst s0  }
0x18: {  	s0 =	sld [smem:$0x3F98];
	_ =	swait.ge [sflag:s4], $0x0  }
0x19: {  	s7 =	sld [smem:$0x3F99]  }
0x1a: {  	s8 =	sadd.s32 $0xFFFFE003, lr  }
0x1b: {  	s9 =	sadd.s32 $0xFFFFFEF7, lr;
	s5 =	simm.s32 $0xFFFFFFFF;
	p2 =	slt.u32 s8, $0xFFFFF086  }
0x1c: {  	p1 =	slt.u32 s9, $0xF7A;
	s5 =	simm.s32 @!p2 $0x0  }
0x1d: {  	s5 =	simm.s32 @p1 $0x1;
	p0 =	seq.s32 s7, s2  }
0x1e: {  	s7 =	smul.u32 @!p0 $0xF7A, s2;
	p2 =	seq.s32 @!p0 s5, $0x0  }
0x1f: {  	s9 =	smul.u32 $0xF7A, s1;
	s8 =	simm.s32 @!p0 $0x1BF5;
	p2 =	por !p2, p0  }
0x20: {  	[sflag:s8] =	ssyncset.s32 @!p0 $0xFFFFF086;
	s6 =	sadd.s32 @!p0 s3, s7;
	s7 =	simm.s32 @!p0 $0x108  }
0x21: {  	s3 =	sadd.s32 s3, s9;
	s6 =	sadd.s32 @!p0 $0x88, s6;
	s7 =	simm.s32 @p2 $0x1082  }
0x22: {  	[simem:s7], [sflag:s8] =	dma.local @!p0 [hbm:s6], $0xF7A  }
0x23: {  	s9 =	sor.u32 $0xD0000000, s2;
	s6 =	simm.s32 $0x108;
	_ =	swait.ge @!p0 [sflag:s8], $0x0  }
0x24: {  	s3 =	sadd.s32 $0x88, s3;
	s6 =	simm.s32 @!p1 $0x1082;
	[sflag:s4] =	ssyncset.s32 $0xFFFFF086  }
0x25: {  	[simem:s6], [sflag:s4] =	dma.local [hbm:s3], $0xF7A  }
0x26: {  	[smem:$0x3F99] =	sst s1;
	(tag) =	ssettag s2;
	_ =	strace s9  }
0x27: {  	s1 =	sld [smem:$0x3FA9]  }
0x28: {  	s2 =	sld [smem:$0x3FAA]  }
0x29: {  	s4 =	sld [smem:$0x3FAC]  }
0x2a: {  	p0 =	seq.s32 s5, $0x0;
	s5 =	sld [smem:$0x3FAD]  }
0x2b: {  	s6 =	sld [smem:$0x3FAE]  }
0x2c: {  	s7 =	sld [smem:$0x3FAF]  }
0x2d: {  	s3 =	simm.s32 $0x108;
	s8 =	sld [smem:$0x3FB0]  }
0x2e: {  	s3 =	simm.s32 @!p0 $0x1082;
	s9 =	sld [smem:$0x3FB1]  }
0x2f: {  	lr =	sadd.s32 s0, s3;
	s0 =	sld [smem:$0x3FA8]  }
0x30: {  	s3 =	sld [smem:$0x3FAB]  }
0x31: {  	[smem:$0x3FB4] =	sst s10  }
0x32: {  	s10 =	sld [smem:$0x3FB2];
	_ =	sdelay $0x3  }
0x33: {  	p0 =	seq.s32 s10, $0x1;
	s10 =	sld [smem:$0x3FB4];
	_ =	sdelay $0x3  }
0x34: {  	[smem:$0x3FB4] =	sst s10  }
0x35: {  	s10 =	sld [smem:$0x3FB3];
	_ =	sdelay $0x3  }
0x36: {  	p1 =	seq.s32 s10, $0x1;
	s10 =	sld [smem:$0x3FB4];
	_ =	sdelay $0x3  }
0x37: {  	[smem:$0x3FB4] =	sst s10  }
0x38: {  	s10 =	sld [smem:$0x3FB5]  }
0x39: {  	_ = 	snop;
	(pc) =	sbr.ind lr, $3  }
0x3a: {  	_ = 	snop  }
0x3b: {  	_ = 	snop  }
0x3c: {  	p2 =	seq.s32 s10, $0x1;
	s10 =	sld [smem:$0x3FB4]  }
0x3d: {  	_ =	shalt  }
0x3e: {  	_ =	shalt  }
0x3f: {  	_ =	shalt  }
0x40: {  	_ =	shalt  }
0x41: {  	_ =	shalt  }
0x42: {  	_ =	shalt  }
0x43: {  	_ =	shalt  }
0x44: {  	_ =	shalt  }
0x45: {  	_ =	shalt  }
0x46: {  	_ =	shalt  }
0x47: {  	_ =	shalt  }
0x48: {  	_ =	shalt  }
0x49: {  	_ =	shalt  }
0x4a: {  	_ =	shalt  }
0x4b: {  	_ =	shalt  }
0x4c: {  	_ =	shalt  }
0x4d: {  	_ =	shalt  }
0x4e: {  	_ =	shalt  }
0x4f: {  	_ =	shalt  }
0x50: {  	_ =	shalt  }
0x51: {  	_ =	shalt  }
0x52: {  	_ =	shalt  }
0x53: {  	_ =	shalt  }
0x54: {  	_ =	shalt  }
0x55: {  	_ =	shalt  }
0x56: {  	_ =	shalt  }
0x57: {  	_ =	shalt  }
0x58: {  	_ =	shalt  }
0x59: {  	_ =	shalt  }
0x5a: {  	_ =	shalt  }
0x5b: {  	_ =	shalt  }
0x5c: {  	_ =	shalt  }
0x5d: {  	_ =	shalt  }
0x5e: {  	_ =	shalt  }
0x5f: {  	_ =	shalt  }
0x60: {  	_ =	shalt  }
0x61: {  	_ =	shalt  }
0x62: {  	_ =	shalt  }
0x63: {  	_ =	shalt  }
0x64: {  	_ =	shalt  }
0x65: {  	_ =	shalt  }
0x66: {  	_ =	shalt  }
0x67: {  	_ =	shalt  }
0x68: {  	_ =	shalt  }
0x69: {  	_ =	shalt  }
0x6a: {  	_ =	shalt  }
0x6b: {  	_ =	shalt  }
0x6c: {  	_ =	shalt  }
0x6d: {  	_ =	shalt  }
0x6e: {  	_ =	shalt  }
0x6f: {  	_ =	shalt  }
0x70: {  	_ =	shalt  }
0x71: {  	_ =	shalt  }
0x72: {  	_ =	shalt  }
0x73: {  	_ =	shalt  }
0x74: {  	_ =	shalt  }
0x75: {  	_ =	shalt  }
0x76: {  	_ =	shalt  }
0x77: {  	_ =	shalt  }
0x78: {  	_ =	shalt  }
0x79: {  	_ =	shalt  }
0x7a: {  	_ =	shalt  }
0x7b: {  	_ =	shalt  }
0x7c: {  	_ =	shalt  }
0x7d: {  	_ =	shalt  }
0x7e: {  	_ =	shalt  }
0x7f: {  	_ =	shalt  }
0x80: {  	_ =	shalt  }
0x81: {  	_ =	shalt  }
0x82: {  	_ =	shalt  }
0x83: {  	_ =	shalt  }
0x84: {  	_ =	shalt  }
0x85: {  	_ =	shalt  }
0x86: {  	_ =	shalt  }
0x87: {  	_ =	shalt  }
.Lfunc_end0:
.L_simem_size_0:
called_computation.2_lowered:
.L_overlay_start_0:
0x88: {  	s2 =	sld [smem:$0x3FD9]  }
0x89: {  	s3 =	sld [smem:$0x3FFE];
	_ =	sdelay $0x1  }
0x8a: {  	s1 =	srdreg.scid  }
0x8b: {  	s0 =	sand.u32 $0x1, s1  }
0x8c: {  	s16 =	sshll.u32 s0, $0xA;
	s2 =	sadd.s32 s3, s2  }
0x8d: {  	s2 =	sadd.s32 s2, s16  }
0x8e: {  	[smem:$0x3FC0] =	sst s2  }
0x8f: {  	_ = 	snop  }
0x90: {  	(tm) =	ssettm $0x1  }
0x91: {  	s17 =	sld [smem:$0x3FFB];
	_ =	sdelay $0x3  }
0x92: {  	_ =	strace s17  }
0x93: {  	s2 =	sld [smem:$0x3FFC];
	_ =	sdelay $0x3  }
0x94: {  	_ =	strace s2  }
0x95: {  	s2 =	sld [smem:$0x3FFD];
	_ =	sdelay $0x3  }
0x96: {  	_ =	strace s2  }
0x97: {  	_ =	strace $0x8FFFFFFF  }
0x98: {  	s18 =	sld [smem:$0x3FDB];
	_ =	sdelay $0x1  }
0x99: {  	s19 =	simm.s32 $_scs_section_size  }
0x9a: {  	s4 =	simm.s32 $_size__tile_overlayer_lowered;
	s5 =	simm.s32 $_tile_overlayer_lowered  }
0x9b: {  	s22 =	simm.s32 $0x1BFF;
	s21 =	sshll.u32 s5, $0x1;
	s2 =	sadd.s32 s19, s18  }
0x9c: {  	s6 =	simm.s32 $0x0;
	s20 =	sshll.u32 s4, $0x1;
	s4 =	sadd.s32 s21, s2  }
0x9d: {  	[timem:s6], [sflag:s22] =	dma.local [hbm:s4], s20  }
0x9e: {  	_ =	swait.ge [sflag:s22], s20  }
0x9f: {  	s3 =	ssub.s32 $0x0, s20;
	[sflag:s22] =	ssyncset.done $0x0  }
0xa0: {  	[sflag:s22] =	ssyncadd.s32 s3;
	_ =	sdelay $0x1  }
0xa1: {  	s23 =	simm.s32 $0x1B8B  }
0xa2: {  	_ =	swait.ge [sflag:s23], $0x1  }
0xa3: {  	[sflag:s23] =	ssyncset.done $0x0  }
0xa4: {  	s25 =	simm.s32 $0x1B8E;
	s24 =	sld [smem:$0x3FFE];
	[sflag:s23] =	ssyncadd.s32 $0xFFFFFFFF  }
0xa5: {  	s26 =	simm.s32 $execute0_lowered;
	[smem:$0x3FD2] =	sst s25  }
0xa6: {  	s4 =	sshll.u32 s26, $0x1;
	_ =	strace $0x8000004C;
	[dreg:$0x1] =	wrdreg $0xFFFFFFFF  }
0xa7: {  	s28 =	simm.s32 $_size_execute0_lowered;
	s2 =	sadd.s32 s2, s4;
	[dreg:$0x0] =	wrdreg $0x0  }
0xa8: {  	s4 =	sshll.u32 s28, $0x1;
	[dreg:$0x2] =	wrdreg s2  }
0xa9: {  	[dreg:$0x3] =	wrdreg s4  }
0xaa: {  	[dreg:$0x4] =	wrdreg $0xC0  }
0xab: {  	_ =	task [dreg:s6], $0x5FFFF  }
0xac: {  	[dreg:$0x1] =	wrdreg $0xFFFFFFFF  }
0xad: {  	[dreg:$0x0] =	wrdreg $0x60  }
0xae: {  	[dreg:$0x2] =	wrdreg s24  }
0xaf: {  	[dreg:$0x3] =	wrdreg $0x90000  }
0xb0: {  	[dreg:$0x4] =	wrdreg $0x9  }
0xb1: {  	_ =	task.clear_ibuf [dreg:s6], $0x5FFFF;
	_ =	strace $0x9000004C  }
0xb2: {  	s29 =	simm.s32 $0x9;
	_ =	strace $0x8000004E  }
0xb3: {  	_ =	swait.ge [sflag:s29], $0x1  }
0xb4: {  	[sflag:s29] =	ssyncadd.s32 $0xFFFFFFFF  }
0xb5: {  	_ =	strace $0x9000004E  }
0xb6: {  	_ =	sfence  }
0xb7: {  	s30 =	sld [smem:$0x0];
	_ =	sdelay $0x2  }
0xb8: {  	s31 =	sshll.u32 s1, $0xD;
	s1 =	sshrl.u32 s1, $0x2  }
0xb9: {  	s3 =	sand.u32 $0x4000, s31;
	s1 =	sadd.s32 s1, s30  }
0xba: {  	s0 =	sor.u32 s3, s0;
	s1 =	sshll.u32 s1, $0x11  }
0xbb: {  	s0 =	sor.u32 s1, s0  }
0xbc: {  	s0 =	sadd.s32 $0x8F2B, s0  }
0xbd: {  	[sflag:s0] =	ssyncadd.remote.s32 $0x1  }
0xbe: {  	_ =	sfence.sel $0xFFFF  }
0xbf: {  	[dreg:$0x0] =	wrdreg $0xFFFFFFFF;
	(pc) =	sbr.abs _section_cstart, $3  }
0xc0: {  	[dreg:$0x1] =	wrdreg $0xFFFFFFFF  }
0xc1: {  	_ =	task.clear_ibuf [dreg:s6], $0x2FFFF;
	_ =	strace $0x9FFFFFFF  }
0xc2: {  	(tm) =	ssettm $0x7FFFFFFF  }
0xc3: {  	_ =	shalt  }
tec
execute0_lowered:
.L_overlay_start_1:
0x0: {  	(tag) =	ssettag $0x1  }
0x1: {  	s6 =	rddreg [dreg:$0x0]  }
0x2: {  	s0 =	srdreg.scid;
	s2 =	rddreg [dreg:$0x1]  }
0x3: {  	s3 =	simm.s32 $0x0;
	s5 =	sand.u32 $0x1, s0;
	s0 =	stileid.u32  }
0x4: {  	s13 =	simm.s32 $0x80;
	s14 =	simm.s32 $0x5000;
	s16 =	smul.u32 $0x2800, s0  }
0x5: {  	s15 =	simm.s32 $0x1;
	[smem:$0x7FF] =	sst s3;
	s8 =	smul.u32 $0x28000, s5  }
0x6: {  	s1 =	sshll.u32 s5, $0x4;
	s5 =	ssub.s32 $0x2, s5;
	s9 =	smul.u32 $0x50000, s0  }
0x7: {  	s31 =	sshll.u32 s0, $0x6;
	s4 =	sor.u32 s0, s1;
	s1 =	rddreg [dreg:$0x2]  }
0x8: {  	_ =	strace $0x8000004D;
	s30 =	sshrl.u32 s5, $0x1;
	s7 =	smul.u32 $0x500, s4  }
0x9: {  	s4 =	sadd.s32 $0x16000, s6;
	s10 =	sadd.s32 s16, s6;
	s9 =	sshrl.u32 s9, $0x2  }
0xa: {  	s8 =	sadd.s32 s8, s6;
	s11 =	ssub.s32 s5, s30;
	s12 =	sadd.s32 s9, s2  }
0xb: {  	s17 =	sadd.s32 $0x65200, s8;
	s8 =	smax.u32 s11, $0x1;
	s9 =	simm.s32 $0x2  }
0xc: {  	s11 =	sor.u32 $0x1C02, s31;
	s7 =	sadd.s32 s7, s6;
	s12 =	sshrl.u32 s12, $0x3  }
0xd: {  	s16 =	sadd.s32 s16, s17;
	s17 =	simm.s32 $0x0;
	s5 =	sadd.s32 $0xC000, s7  }
0xe: {  	s6 =	sadd.s32 $0x2000, s7;
	s7 =	sadd.s32 $0x3D200, s10;
	s10 =	simm.s32 $0x2800  }
.LBB2_1:
0xf: {  	[tilespmem:s3], [sflag:$0x2] =	stream.linear.gather [hbm4b:s5+s3], $0x2800, $0x38;
	[tilespmem:$0x1D000] =	vst v63  }
0x10: {  	_ =	swait.ge [sflag:s9], $0x2800  }
0x11: {  	[sflag:s9] =	ssyncset.done $0x0  }
0x12: {  	[sflag:s9] =	ssyncadd.s32 $0xFFFFD800  }
0x13: {  	[tilespmem:s10], [sflag:$0x2] =	stream.linear.gather [hbm4b:s6+s3], $0x2800, $0x38;
	[tilespmem:$0x1D000] =	vst v63  }
0x14: {  	_ =	swait.ge [sflag:s9], $0x2800  }
0x15: {  	[sflag:s9] =	ssyncset.done $0x0  }
0x16: {  	[sflag:s9] =	ssyncadd.s32 $0xFFFFD800  }
0x17: {  	[spmem:s12], [sflag:s11] =	dma.local [hbm:s7], $0x2800  }
0x18: {  	_ =	swait.ge [sflag:s9], $0x2800  }
0x19: {  	[sflag:s9] =	ssyncset.done $0x0  }
0x1a: {  	[sflag:s9] =	ssyncadd.s32 $0xFFFFD800  }
0x1b: {  	s18 =	simm.s32 $0x0;
	[bflag:$0x0] =	sbarrier.arrive $0xFFFF  }
0x1c: {  	[tilespmem:s14], [sflag:$0x1] =	stream.indirect.gather [hbm4b:s4+s13], $0x80, s18, s13, $0xb8;
	[tilespmem:$0x1D000] =	vst v63  }
0x1d: {  	_ =	swait.ge [sflag:s15], $0x4000  }
0x1e: {  	[sflag:s15] =	ssyncset.done $0x0  }
0x1f: {  	s24 =	simm.s32 $0x2800;
	[sflag:s15] =	ssyncadd.s32 $0xFFFFC000  }
0x20: {  	[spmem:s2] =	stream.indirect.scatter.add.f32 [tilespmem:s14], [sflag:$0x2], $0x80, s24, s13, $0xb8;
	[tilespmem:$0x1D000] =	vst v63  }
0x21: {  	_ =	swait.ge [sflag:s9], $0x4000  }
0x22: {  	[sflag:s9] =	ssyncset.done $0x0  }
0x23: {  	s25 =	simm.s32 $0x80;
	[sflag:s9] =	ssyncadd.s32 $0xFFFFC000  }
0x24: {  	[tilespmem:s14], [sflag:$0x1] =	stream.indirect.gather [hbm4b:s4+s13], $0x80, s25, s13, $0xb8;
	[tilespmem:$0x1D000] =	vst v63  }
0x25: {  	_ =	swait.ge [sflag:s15], $0x4000  }
0x26: {  	[sflag:s15] =	ssyncset.done $0x0  }
0x27: {  	s26 =	simm.s32 $0x2880;
	[sflag:s15] =	ssyncadd.s32 $0xFFFFC000  }
0x28: {  	[spmem:s2] =	stream.indirect.scatter.add.f32 [tilespmem:s14], [sflag:$0x2], $0x80, s26, s13, $0xb8;
	[tilespmem:$0x1D000] =	vst v63  }
0x29: {  	_ =	swait.ge [sflag:s9], $0x4000  }
0x2a: {  	[sflag:s9] =	ssyncset.done $0x0  }
0x2b: {  	s28 =	simm.s32 $0x100;
	[sflag:s9] =	ssyncadd.s32 $0xFFFFC000  }
0x2c: {  	[tilespmem:s14], [sflag:$0x1] =	stream.indirect.gather [hbm4b:s4+s13], $0x80, s28, s13, $0xb8;
	[tilespmem:$0x1D000] =	vst v63  }
0x2d: {  	_ =	swait.ge [sflag:s15], $0x4000  }
0x2e: {  	[sflag:s15] =	ssyncset.done $0x0  }
0x2f: {  	s29 =	simm.s32 $0x2900;
	[sflag:s15] =	ssyncadd.s32 $0xFFFFC000  }
0x30: {  	[spmem:s2] =	stream.indirect.scatter.add.f32 [tilespmem:s14], [sflag:$0x2], $0x80, s29, s13, $0xb8;
	[tilespmem:$0x1D000] =	vst v63  }
0x31: {  	_ =	swait.ge [sflag:s9], $0x4000  }
0x32: {  	[sflag:s9] =	ssyncset.done $0x0  }
0x33: {  	s30 =	simm.s32 $0x180;
	[sflag:s9] =	ssyncadd.s32 $0xFFFFC000  }
0x34: {  	[tilespmem:s14], [sflag:$0x1] =	stream.indirect.gather [hbm4b:s4+s13], $0x80, s30, s13, $0xb8;
	[tilespmem:$0x1D000] =	vst v63  }
0x35: {  	_ =	swait.ge [sflag:s15], $0x4000  }
0x36: {  	[sflag:s15] =	ssyncset.done $0x0  }
0x37: {  	s31 =	simm.s32 $0x2980;
	[sflag:s15] =	ssyncadd.s32 $0xFFFFC000  }
0x38: {  	[spmem:s2] =	stream.indirect.scatter.add.f32 [tilespmem:s14], [sflag:$0x2], $0x80, s31, s13, $0xb8;
	[tilespmem:$0x1D000] =	vst v63  }
0x39: {  	_ =	swait.ge [sflag:s9], $0x4000  }
0x3a: {  	s21 =	simm.s32 $0x1000;
	s18 =	simm.s32 $0x800;
	[sflag:s9] =	ssyncset.done $0x0  }
.LBB2_2:
0x3b: {  	s20 =	sshra.s32 s18, $0x2  }
0x3c: {  	[sflag:s9] =	ssyncadd.s32 $0xFFFFC000;
	s18 =	smov.u32 s21;
	s19 =	sadd.s32 $0x800, s21  }
0x3d: {  	[tilespmem:s14], [sflag:$0x1] =	stream.indirect.gather [hbm4b:s4+s13], $0x80, s20, s13, $0xb8;
	[tilespmem:$0x1D000] =	vst v63  }
0x3e: {  	p0 =	sne.s32 s21, $0x9800;
	_ =	swait.ge [sflag:s15], $0x4000  }
0x3f: {  	[sflag:s15] =	ssyncset.done $0x0  }
0x40: {  	s21 =	sadd.s32 $0x2800, s20;
	[sflag:s15] =	ssyncadd.s32 $0xFFFFC000  }
0x41: {  	[spmem:s2] =	stream.indirect.scatter.add.f32 [tilespmem:s14], [sflag:$0x2], $0x80, s21, s13, $0xb8;
	[tilespmem:$0x1D000] =	vst v63  }
0x42: {  	_ =	swait.ge [sflag:s9], $0x4000  }
0x43: {  	[sflag:s9] =	ssyncset.done $0x0  }
0x44: {  	s21 =	sadd.s32 $0x80, s20;
	[sflag:s9] =	ssyncadd.s32 $0xFFFFC000  }
0x45: {  	[tilespmem:s14], [sflag:$0x1] =	stream.indirect.gather [hbm4b:s4+s13], $0x80, s21, s13, $0xb8;
	[tilespmem:$0x1D000] =	vst v63  }
0x46: {  	_ =	swait.ge [sflag:s15], $0x4000  }
0x47: {  	[sflag:s15] =	ssyncset.done $0x0  }
0x48: {  	s21 =	sadd.s32 $0x2880, s20;
	[sflag:s15] =	ssyncadd.s32 $0xFFFFC000  }
0x49: {  	[spmem:s2] =	stream.indirect.scatter.add.f32 [tilespmem:s14], [sflag:$0x2], $0x80, s21, s13, $0xb8;
	[tilespmem:$0x1D000] =	vst v63  }
0x4a: {  	_ =	swait.ge [sflag:s9], $0x4000  }
0x4b: {  	[sflag:s9] =	ssyncset.done $0x0  }
0x4c: {  	s21 =	sadd.s32 $0x100, s20;
	[sflag:s9] =	ssyncadd.s32 $0xFFFFC000  }
0x4d: {  	[tilespmem:s14], [sflag:$0x1] =	stream.indirect.gather [hbm4b:s4+s13], $0x80, s21, s13, $0xb8;
	[tilespmem:$0x1D000] =	vst v63  }
0x4e: {  	_ =	swait.ge [sflag:s15], $0x4000  }
0x4f: {  	[sflag:s15] =	ssyncset.done $0x0  }
0x50: {  	s21 =	sadd.s32 $0x2900, s20;
	[sflag:s15] =	ssyncadd.s32 $0xFFFFC000  }
0x51: {  	[spmem:s2] =	stream.indirect.scatter.add.f32 [tilespmem:s14], [sflag:$0x2], $0x80, s21, s13, $0xb8;
	[tilespmem:$0x1D000] =	vst v63  }
0x52: {  	_ =	swait.ge [sflag:s9], $0x4000  }
0x53: {  	[sflag:s9] =	ssyncset.done $0x0  }
0x54: {  	s21 =	sadd.s32 $0x180, s20;
	[sflag:s9] =	ssyncadd.s32 $0xFFFFC000  }
0x55: {  	[tilespmem:s14], [sflag:$0x1] =	stream.indirect.gather [hbm4b:s4+s13], $0x80, s21, s13, $0xb8;
	[tilespmem:$0x1D000] =	vst v63  }
0x56: {  	_ =	swait.ge [sflag:s15], $0x4000  }
.Ltmp0:
0x57: {  	[sflag:s15] =	ssyncset.done $0x0;
	(pc) =	sbr.rel @p0 .LBB2_2-.Ltmp0, $4  }
0x58: {  	s20 =	sadd.s32 $0x2980, s20;
	[sflag:s15] =	ssyncadd.s32 $0xFFFFC000  }
0x59: {  	[spmem:s2] =	stream.indirect.scatter.add.f32 [tilespmem:s14], [sflag:$0x2], $0x80, s20, s13, $0xb8;
	[tilespmem:$0x1D000] =	vst v63  }
0x5a: {  	_ =	swait.ge [sflag:s9], $0x4000  }
0x5b: {  	s21 =	smov.u32 s19;
	[sflag:s9] =	ssyncset.done $0x0  }
0x5c: {  	s18 =	sshra.s32 s18, $0x2;
	[sflag:s9] =	ssyncadd.s32 $0xFFFFC000  }
0x5d: {  	[tilespmem:s14], [sflag:$0x1] =	stream.indirect.gather [hbm4b:s4+s13], $0x80, s18, s13, $0xb8;
	[tilespmem:$0x1D000] =	vst v63  }
0x5e: {  	_ =	swait.ge [sflag:s15], $0x4000  }
0x5f: {  	[sflag:s15] =	ssyncset.done $0x0  }
0x60: {  	s19 =	sadd.s32 $0x2800, s18;
	[sflag:s15] =	ssyncadd.s32 $0xFFFFC000  }
0x61: {  	[spmem:s2] =	stream.indirect.scatter.add.f32 [tilespmem:s14], [sflag:$0x2], $0x80, s19, s13, $0xb8;
	[tilespmem:$0x1D000] =	vst v63  }
0x62: {  	_ =	swait.ge [sflag:s9], $0x4000  }
0x63: {  	[sflag:s9] =	ssyncset.done $0x0  }
0x64: {  	s26 =	sadd.s32 $0x80, s18;
	[sflag:s9] =	ssyncadd.s32 $0xFFFFC000  }
0x65: {  	[tilespmem:s14], [sflag:$0x1] =	stream.indirect.gather [hbm4b:s4+s13], $0x80, s26, s13, $0xb8;
	[tilespmem:$0x1D000] =	vst v63  }
0x66: {  	_ =	swait.ge [sflag:s15], $0x4000  }
0x67: {  	[sflag:s15] =	ssyncset.done $0x0  }
0x68: {  	s28 =	sadd.s32 $0x2880, s18;
	[sflag:s15] =	ssyncadd.s32 $0xFFFFC000  }
0x69: {  	[spmem:s2] =	stream.indirect.scatter.add.f32 [tilespmem:s14], [sflag:$0x2], $0x80, s28, s13, $0xb8;
	[tilespmem:$0x1D000] =	vst v63  }
0x6a: {  	_ =	swait.ge [sflag:s9], $0x4000  }
0x6b: {  	[sflag:s9] =	ssyncset.done $0x0  }
0x6c: {  	s29 =	sadd.s32 $0x100, s18;
	[sflag:s9] =	ssyncadd.s32 $0xFFFFC000  }
0x6d: {  	[tilespmem:s14], [sflag:$0x1] =	stream.indirect.gather [hbm4b:s4+s13], $0x80, s29, s13, $0xb8;
	[tilespmem:$0x1D000] =	vst v63  }
0x6e: {  	_ =	swait.ge [sflag:s15], $0x4000  }
0x6f: {  	[sflag:s15] =	ssyncset.done $0x0  }
0x70: {  	s30 =	sadd.s32 $0x2900, s18;
	[sflag:s15] =	ssyncadd.s32 $0xFFFFC000  }
0x71: {  	[spmem:s2] =	stream.indirect.scatter.add.f32 [tilespmem:s14], [sflag:$0x2], $0x80, s30, s13, $0xb8;
	[tilespmem:$0x1D000] =	vst v63  }
0x72: {  	_ =	swait.ge [sflag:s9], $0x4000  }
0x73: {  	[sflag:s9] =	ssyncset.done $0x0  }
0x74: {  	s31 =	sadd.s32 $0x180, s18;
	[sflag:s9] =	ssyncadd.s32 $0xFFFFC000  }
0x75: {  	[tilespmem:s14], [sflag:$0x1] =	stream.indirect.gather [hbm4b:s4+s13], $0x80, s31, s13, $0xb8;
	[tilespmem:$0x1D000] =	vst v63  }
0x76: {  	_ =	swait.ge [sflag:s15], $0x4000  }
0x77: {  	[sflag:s15] =	ssyncset.done $0x0  }
0x78: {  	s18 =	sadd.s32 $0x2980, s18;
	[sflag:s15] =	ssyncadd.s32 $0xFFFFC000  }
0x79: {  	[spmem:s2] =	stream.indirect.scatter.add.f32 [tilespmem:s14], [sflag:$0x2], $0x80, s18, s13, $0xb8;
	[tilespmem:$0x1D000] =	vst v63  }
0x7a: {  	_ =	swait.ge [sflag:s9], $0x4000  }
0x7b: {  	s17 =	sadd.s32 $0x1, s17;
	[sflag:s9] =	ssyncset.done $0x0  }
0x7c: {  	p0 =	sne.s32 s17, s8;
	[sflag:s9] =	ssyncadd.s32 $0xFFFFC000  }
.Ltmp1:
0x7d: {  	[bflag:$0x0] =	sbarrier.arrive $0xFFFF;
	(pc) =	sbr.rel @p0 .LBB2_1-.Ltmp1, $4  }
0x7e: {  	[hbm:s16], [sflag:s11] =	dma.local [spmem:s12], $0x2800  }
0x7f: {  	_ =	swait.ge [sflag:s9], $0x2800  }
0x80: {  	[sflag:s9] =	ssyncset.done $0x0  }
0x81: {  	[sflag:s9] =	ssyncadd.s32 $0xFFFFD800  }
0x82: {  	_ =	sfence.sel $0x180000  }
0x83: {  	[bflag:$0x0] =	sbarrier.arrive $0xFFFF  }
0x84: {  	p0 =	sne.s32 s0, $0x0;
	_ =	strace $0x9000004D  }
0x85: {  	s0 =	sadd.s32 @!p0 $0x100000, s1;
	[bflag:$0x2] =	sbarrier.arrive $0xFFFF  }
0x86: {  	[sflag:s0] =	ssyncadd.tile.s32 @!p0 $0x1;
	_ =	shalt  }
.Lfunc_end2:
_tile_overlayer_lowered:
.L_overlay_start_2:
0x87: {  	(tag) =	ssettag $0x2  }
0x88: {  	s0 =	rddreg [dreg:$0x0];
	s2 =	stileid.u32  }
0x89: {  	s1 =	rddreg [dreg:$0x1];
	p0 =	sne.s32 s2, $0x0  }
0x8a: {  	s3 =	rddreg [dreg:$0x2];
	[bflag:$0x3] =	sbarrier.arrive $0xFFFF;
	s2 =	simm.s32 @!p0 $0x1C02  }
0x8b: {  	[timem:s3], [sflag:s2] =	dma.local @!p0 [hbm:s0], s1  }
0x8c: {  	s0 =	simm.s32 @!p0 $0x2  }
0x8d: {  	_ =	swait.ge @!p0 [sflag:s0], s1  }
0x8e: {  	s1 =	ssub.s32 @!p0 $0x0, s1;
	[sflag:s0] =	ssyncset.done @!p0 $0x0  }
0x8f: {  	[sflag:s0] =	ssyncadd.s32 @!p0 s1  }
0x90: {  	[bflag:$0x3] =	sbarrier.arrive $0xFFFF  }
0x91: {  	_ =	shalt  }

// kernel: kernel.8.cloned.1.call-start
scs
__scs_entry_jumppad:
0x0: {  	(pc) =	sbr.rel $0x88, $3  }
0x1: {  	(tag) =	ssettag $0x0;
	lr =	simm.s32 $0x1  }
0x2: {  	[smem:$0x3F99] =	sst lr;
	_ =	strace $0xD0000000  }
0x3: {  	_ = 	snop  }
0x4: {  	_ = 	snop  }
0x5: {  	_ = 	snop  }
0x6: {  	_ = 	snop  }
0x7: {  	_ = 	snop  }
__scs_overlays_trampoline_lowered:
0x8: {  	[smem:$0x3FA8] =	sst s0  }
0x9: {  	[smem:$0x3FA9] =	sst s1  }
0xa: {  	[smem:$0x3FAA] =	sst s2  }
0xb: {  	[smem:$0x3FAB] =	sst s3  }
0xc: {  	[smem:$0x3FAC] =	sst s4  }
0xd: {  	[smem:$0x3FAD] =	sst s5  }
0xe: {  	[smem:$0x3FAE] =	sst s6  }
0xf: {  	[smem:$0x3FAF] =	sst s7  }
0x10: {  	[smem:$0x3FB0] =	sst s8  }
0x11: {  	[smem:$0x3FB1] =	sst s9;
	s0 =	simm.s32 @!p0 $0x0  }
0x12: {  	s1 =	sld [smem:$0x3F97];
	s0 =	simm.s32 @p0 $0x1  }
0x13: {  	[smem:$0x3FB2] =	sst s0;
	s0 =	simm.s32 @!p1 $0x0  }
0x14: {  	s2 =	sld [smem:$0x3F96];
	s0 =	simm.s32 @p1 $0x1  }
0x15: {  	[smem:$0x3FB3] =	sst s0;
	s0 =	simm.s32 @!p2 $0x0  }
0x16: {  	s3 =	sld [smem:$0x3FDB];
	s0 =	simm.s32 @p2 $0x1  }
0x17: {  	s4 =	simm.s32 $0x1BF5;
	[smem:$0x3FB5] =	sst s0  }
0x18: {  	s0 =	sld [smem:$0x3F98];
	_ =	swait.ge [sflag:s4], $0x0  }
0x19: {  	s7 =	sld [smem:$0x3F99]  }
0x1a: {  	s8 =	sadd.s32 $0xFFFFE003, lr  }
0x1b: {  	s9 =	sadd.s32 $0xFFFFFEF7, lr;
	s5 =	simm.s32 $0xFFFFFFFF;
	p2 =	slt.u32 s8, $0xFFFFF086  }
0x1c: {  	p1 =	slt.u32 s9, $0xF7A;
	s5 =	simm.s32 @!p2 $0x0  }
0x1d: {  	s5 =	simm.s32 @p1 $0x1;
	p0 =	seq.s32 s7, s2  }
0x1e: {  	s7 =	smul.u32 @!p0 $0xF7A, s2;
	p2 =	seq.s32 @!p0 s5, $0x0  }
0x1f: {  	s9 =	smul.u32 $0xF7A, s1;
	s8 =	simm.s32 @!p0 $0x1BF5;
	p2 =	por !p2, p0  }
0x20: {  	[sflag:s8] =	ssyncset.s32 @!p0 $0xFFFFF086;
	s6 =	sadd.s32 @!p0 s3, s7;
	s7 =	simm.s32 @!p0 $0x108  }
0x21: {  	s3 =	sadd.s32 s3, s9;
	s6 =	sadd.s32 @!p0 $0x88, s6;
	s7 =	simm.s32 @p2 $0x1082  }
0x22: {  	[simem:s7], [sflag:s8] =	dma.local @!p0 [hbm:s6], $0xF7A  }
0x23: {  	s9 =	sor.u32 $0xD0000000, s2;
	s6 =	simm.s32 $0x108;
	_ =	swait.ge @!p0 [sflag:s8], $0x0  }
0x24: {  	s3 =	sadd.s32 $0x88, s3;
	s6 =	simm.s32 @!p1 $0x1082;
	[sflag:s4] =	ssyncset.s32 $0xFFFFF086  }
0x25: {  	[simem:s6], [sflag:s4] =	dma.local [hbm:s3], $0xF7A  }
0x26: {  	[smem:$0x3F99] =	sst s1;
	(tag) =	ssettag s2;
	_ =	strace s9  }
0x27: {  	s1 =	sld [smem:$0x3FA9]  }
0x28: {  	s2 =	sld [smem:$0x3FAA]  }
0x29: {  	s4 =	sld [smem:$0x3FAC]  }
0x2a: {  	p0 =	seq.s32 s5, $0x0;
	s5 =	sld [smem:$0x3FAD]  }
0x2b: {  	s6 =	sld [smem:$0x3FAE]  }
0x2c: {  	s7 =	sld [smem:$0x3FAF]  }
0x2d: {  	s3 =	simm.s32 $0x108;
	s8 =	sld [smem:$0x3FB0]  }
0x2e: {  	s3 =	simm.s32 @!p0 $0x1082;
	s9 =	sld [smem:$0x3FB1]  }
0x2f: {  	lr =	sadd.s32 s0, s3;
	s0 =	sld [smem:$0x3FA8]  }
0x30: {  	s3 =	sld [smem:$0x3FAB]  }
0x31: {  	[smem:$0x3FB4] =	sst s10  }
0x32: {  	s10 =	sld [smem:$0x3FB2];
	_ =	sdelay $0x3  }
0x33: {  	p0 =	seq.s32 s10, $0x1;
	s10 =	sld [smem:$0x3FB4];
	_ =	sdelay $0x3  }
0x34: {  	[smem:$0x3FB4] =	sst s10  }
0x35: {  	s10 =	sld [smem:$0x3FB3];
	_ =	sdelay $0x3  }
0x36: {  	p1 =	seq.s32 s10, $0x1;
	s10 =	sld [smem:$0x3FB4];
	_ =	sdelay $0x3  }
0x37: {  	[smem:$0x3FB4] =	sst s10  }
0x38: {  	s10 =	sld [smem:$0x3FB5]  }
0x39: {  	_ = 	snop;
	(pc) =	sbr.ind lr, $3  }
0x3a: {  	_ = 	snop  }
0x3b: {  	_ = 	snop  }
0x3c: {  	p2 =	seq.s32 s10, $0x1;
	s10 =	sld [smem:$0x3FB4]  }
0x3d: {  	_ =	shalt  }
0x3e: {  	_ =	shalt  }
0x3f: {  	_ =	shalt  }
0x40: {  	_ =	shalt  }
0x41: {  	_ =	shalt  }
0x42: {  	_ =	shalt  }
0x43: {  	_ =	shalt  }
0x44: {  	_ =	shalt  }
0x45: {  	_ =	shalt  }
0x46: {  	_ =	shalt  }
0x47: {  	_ =	shalt  }
0x48: {  	_ =	shalt  }
0x49: {  	_ =	shalt  }
0x4a: {  	_ =	shalt  }
0x4b: {  	_ =	shalt  }
0x4c: {  	_ =	shalt  }
0x4d: {  	_ =	shalt  }
0x4e: {  	_ =	shalt  }
0x4f: {  	_ =	shalt  }
0x50: {  	_ =	shalt  }
0x51: {  	_ =	shalt  }
0x52: {  	_ =	shalt  }
0x53: {  	_ =	shalt  }
0x54: {  	_ =	shalt  }
0x55: {  	_ =	shalt  }
0x56: {  	_ =	shalt  }
0x57: {  	_ =	shalt  }
0x58: {  	_ =	shalt  }
0x59: {  	_ =	shalt  }
0x5a: {  	_ =	shalt  }
0x5b: {  	_ =	shalt  }
0x5c: {  	_ =	shalt  }
0x5d: {  	_ =	shalt  }
0x5e: {  	_ =	shalt  }
0x5f: {  	_ =	shalt  }
0x60: {  	_ =	shalt  }
0x61: {  	_ =	shalt  }
0x62: {  	_ =	shalt  }
0x63: {  	_ =	shalt  }
0x64: {  	_ =	shalt  }
0x65: {  	_ =	shalt  }
0x66: {  	_ =	shalt  }
0x67: {  	_ =	shalt  }
0x68: {  	_ =	shalt  }
0x69: {  	_ =	shalt  }
0x6a: {  	_ =	shalt  }
0x6b: {  	_ =	shalt  }
0x6c: {  	_ =	shalt  }
0x6d: {  	_ =	shalt  }
0x6e: {  	_ =	shalt  }
0x6f: {  	_ =	shalt  }
0x70: {  	_ =	shalt  }
0x71: {  	_ =	shalt  }
0x72: {  	_ =	shalt  }
0x73: {  	_ =	shalt  }
0x74: {  	_ =	shalt  }
0x75: {  	_ =	shalt  }
0x76: {  	_ =	shalt  }
0x77: {  	_ =	shalt  }
0x78: {  	_ =	shalt  }
0x79: {  	_ =	shalt  }
0x7a: {  	_ =	shalt  }
0x7b: {  	_ =	shalt  }
0x7c: {  	_ =	shalt  }
0x7d: {  	_ =	shalt  }
0x7e: {  	_ =	shalt  }
0x7f: {  	_ =	shalt  }
0x80: {  	_ =	shalt  }
0x81: {  	_ =	shalt  }
0x82: {  	_ =	shalt  }
0x83: {  	_ =	shalt  }
0x84: {  	_ =	shalt  }
0x85: {  	_ =	shalt  }
0x86: {  	_ =	shalt  }
0x87: {  	_ =	shalt  }
.Lfunc_end0:
.L_simem_size_0:
called_computation_lowered:
.L_overlay_start_0:
0x88: {  	s2 =	sld [smem:$0x3FD9]  }
0x89: {  	s3 =	sld [smem:$0x3FFE];
	_ =	sdelay $0x1  }
0x8a: {  	s1 =	srdreg.scid  }
0x8b: {  	s0 =	sand.u32 $0x1, s1  }
0x8c: {  	s17 =	sshll.u32 s0, $0xA;
	s2 =	sadd.s32 s3, s2  }
0x8d: {  	s2 =	sadd.s32 s2, s17  }
0x8e: {  	[smem:$0x3FC0] =	sst s2  }
0x8f: {  	_ = 	snop  }
0x90: {  	s2 =	sld [smem:$0x3FD0];
	(tm) =	ssettm $0x1  }
0x91: {  	s18 =	sld [smem:$0x3FFB];
	_ =	sdelay $0x3  }
0x92: {  	_ =	strace s18  }
0x93: {  	s3 =	sld [smem:$0x3FFC];
	_ =	sdelay $0x3  }
0x94: {  	_ =	strace s3  }
0x95: {  	s3 =	sld [smem:$0x3FFD];
	_ =	sdelay $0x3  }
0x96: {  	_ =	strace s3  }
0x97: {  	_ =	strace $0x8FFFFFFF  }
0x98: {  	s19 =	sld [smem:$0x3FDB];
	_ =	sdelay $0x1  }
0x99: {  	s4 =	simm.s32 $_scs_section_size  }
0x9a: {  	s5 =	simm.s32 $_size__tile_overlayer_lowered;
	s6 =	simm.s32 $_tile_overlayer_lowered  }
0x9b: {  	s22 =	simm.s32 $0x1BFF;
	s21 =	sshll.u32 s6, $0x1;
	s3 =	sadd.s32 s4, s19  }
0x9c: {  	s7 =	simm.s32 $0x0;
	s20 =	sshll.u32 s5, $0x1;
	s5 =	sadd.s32 s21, s3  }
0x9d: {  	[timem:s7], [sflag:s22] =	dma.local [hbm:s5], s20  }
0x9e: {  	_ =	swait.ge [sflag:s22], s20  }
0x9f: {  	s4 =	ssub.s32 $0x0, s20;
	[sflag:s22] =	ssyncset.done $0x0  }
0xa0: {  	[sflag:s22] =	ssyncadd.s32 s4;
	_ =	sdelay $0x1  }
0xa1: {  	s23 =	simm.s32 $0x1B8B  }
0xa2: {  	_ =	swait.ge [sflag:s23], $0x1  }
0xa3: {  	[sflag:s23] =	ssyncset.done $0x0  }
0xa4: {  	s25 =	simm.s32 $0x1B8E;
	s24 =	sld [smem:$0x3FFE];
	[sflag:s23] =	ssyncadd.s32 $0xFFFFFFFF  }
0xa5: {  	s26 =	simm.s32 $execute0_lowered;
	[smem:$0x3FD2] =	sst s25  }
0xa6: {  	s5 =	sshll.u32 s26, $0x1;
	_ =	strace $0x80000046;
	[dreg:$0x1] =	wrdreg $0xFFFFFFFF  }
0xa7: {  	s28 =	simm.s32 $_size_execute0_lowered;
	s3 =	sadd.s32 s3, s5;
	[dreg:$0x0] =	wrdreg $0x0  }
0xa8: {  	s5 =	sshll.u32 s28, $0x1;
	[dreg:$0x2] =	wrdreg s3  }
0xa9: {  	[dreg:$0x3] =	wrdreg s5  }
0xaa: {  	[dreg:$0x4] =	wrdreg $0xC0  }
0xab: {  	_ =	task [dreg:s7], $0x5FFFF  }
0xac: {  	[dreg:$0x1] =	wrdreg $0xFFFFFFFF  }
0xad: {  	[dreg:$0x0] =	wrdreg $0x60  }
0xae: {  	[dreg:$0x2] =	wrdreg s24  }
0xaf: {  	[dreg:$0x3] =	wrdreg s2  }
0xb0: {  	[dreg:$0x4] =	wrdreg $0x28800  }
0xb1: {  	[dreg:$0x5] =	wrdreg $0x9  }
0xb2: {  	_ =	task.clear_ibuf [dreg:s7], $0x6FFFF;
	_ =	strace $0x90000046  }
0xb3: {  	s29 =	simm.s32 $0x9;
	_ =	strace $0x80000048  }
0xb4: {  	_ =	swait.ge [sflag:s29], $0x1  }
0xb5: {  	[sflag:s29] =	ssyncadd.s32 $0xFFFFFFFF  }
0xb6: {  	_ =	strace $0x90000048  }
0xb7: {  	_ =	sfence  }
0xb8: {  	s30 =	sld [smem:$0x0];
	_ =	sdelay $0x2  }
0xb9: {  	s31 =	sshll.u32 s1, $0xD;
	s1 =	sshrl.u32 s1, $0x2  }
0xba: {  	s3 =	sand.u32 $0x4000, s31;
	s1 =	sadd.s32 s1, s30  }
0xbb: {  	s0 =	sor.u32 s3, s0;
	s1 =	sshll.u32 s1, $0x11  }
0xbc: {  	s0 =	sor.u32 s1, s0  }
0xbd: {  	s0 =	sadd.s32 $0x8F2B, s0  }
0xbe: {  	[sflag:s0] =	ssyncadd.remote.s32 $0x1  }
0xbf: {  	_ =	sfence.sel $0xFFFF  }
0xc0: {  	[dreg:$0x0] =	wrdreg $0xFFFFFFFF;
	(pc) =	sbr.abs _section_cstart, $3  }
0xc1: {  	[dreg:$0x1] =	wrdreg $0xFFFFFFFF  }
0xc2: {  	_ =	task.clear_ibuf [dreg:s7], $0x2FFFF;
	_ =	strace $0x9FFFFFFF  }
0xc3: {  	(tm) =	ssettm $0x7FFFFFFF  }
tec
execute0_lowered:
.L_overlay_start_1:
0x0: {  	(tag) =	ssettag $0x1  }
0x1: {  	s5 =	rddreg [dreg:$0x0]  }
0x2: {  	s1 =	rddreg [dreg:$0x1]  }
0x3: {  	s0 =	srdreg.scid;
	s3 =	rddreg [dreg:$0x2]  }
0x4: {  	s2 =	stileid.u32;
	s4 =	simm.s32 $0x0;
	s15 =	simm.s32 $0x10  }
0x5: {  	s6 =	sand.u32 $0x1, s0;
	s0 =	rddreg [dreg:$0x3];
	s9 =	smul.u32 $0x280, s2  }
0x6: {  	s16 =	simm.s32 $0x0;
	[smem:$0x7FF] =	sst s4;
	s14 =	smul.u32 $0xA0, s2  }
0x7: {  	s31 =	sshll.u32 s2, $0x6;
	s7 =	sshll.u32 s6, $0x4;
	_ =	strace $0x80000047  }
0x8: {  	s6 =	ssub.s32 $0x2, s6;
	s8 =	sor.u32 s2, s7;
	s10 =	sshrl.u32 s9, $0x3  }
0x9: {  	s11 =	sshrl.u32 s6, $0x1;
	s7 =	sadd.s32 s7, s5;
	s12 =	sadd.s32 s9, s3  }
0xa: {  	s9 =	simm.s32 $0x2800;
	s8 =	smul.u32 $0x500, s8;
	s10 =	sadd.s32 s10, s5  }
0xb: {  	s11 =	ssub.s32 s6, s11;
	s13 =	sadd.s32 $0x16600, s7;
	s6 =	sadd.s32 $0x16000, s10  }
0xc: {  	s7 =	smax.u32 s11, $0x1;
	s10 =	sor.u32 $0x1C01, s31;
	s11 =	sshrl.u32 s12, $0x3  }
0xd: {  	s12 =	simm.s32 $0x80;
	s13 =	sadd.s32 s14, s13;
	s8 =	sadd.s32 s8, s5  }
0xe: {  	s14 =	simm.s32 $0x20;
	s5 =	sadd.s32 $0x2000, s8;
	s8 =	simm.s32 $0x1  }
.LBB2_1:
0xf: {  	[tilespmem:s4], [sflag:$0x1] =	stream.linear.gather [hbm4b:s5+s4], $0x2800, $0x38;
	[tilespmem:$0x2B00] =	vst v63  }
0x10: {  	_ =	swait.ge [sflag:s8], $0x2800  }
0x11: {  	[sflag:s8] =	ssyncset.done $0x0  }
0x12: {  	[sflag:s8] =	ssyncadd.s32 $0xFFFFD800  }
0x13: {  	[tilespmem:s9], [sflag:$0x1] =	stream.linear.gather [hbm4b:s1+s4], $0x80, $0x38;
	[tilespmem:$0x2B00] =	vst v63  }
0x14: {  	_ =	swait.ge [sflag:s8], $0x80  }
0x15: {  	[sflag:s8] =	ssyncset.done $0x0  }
0x16: {  	[sflag:s8] =	ssyncadd.s32 $0xFFFFFF80  }
0x17: {  	[spmem:s11], [sflag:s10] =	dma.local [hbm:s6], $0x50  }
0x18: {  	_ =	swait.ge [sflag:s8], $0x50  }
0x19: {  	[sflag:s8] =	ssyncset.done $0x0  }
0x1a: {  	[sflag:s8] =	ssyncadd.s32 $0xFFFFFFB0  }
0x1b: {  	s17 =	simm.s32 $0x0;
	[bflag:$0x0] =	sbarrier.arrive $0xFFFF  }
0x1c: {  	[spmem:s3] =	stream.indirect.scatter.add.f32 [tilespmem:s9], [sflag:$0x1], $0x1, s17, s12, $0xb8;
	[tilespmem:$0x2B00] =	vst v63  }
0x1d: {  	_ =	swait.ge [sflag:s8], $0x80  }
0x1e: {  	s17 =	simm.s32 $0x200;
	[sflag:s8] =	ssyncset.done $0x0  }
.LBB2_2:
0x1f: {  	s18 =	sshra.s32 s17, $0x2;
	[sflag:s8] =	ssyncadd.s32 $0xFFFFFF80;
	p0 =	sne.s32 s17, $0x9E00  }
0x20: {  	[spmem:s3] =	stream.indirect.scatter.add.f32 [tilespmem:s9], [sflag:$0x1], $0x1, s18, s12, $0xb8;
	[tilespmem:$0x2B00] =	vst v63  }
.Ltmp0:
0x21: {  	_ = 	snop;
	(pc) =	sbr.rel @p0 .LBB2_2-.Ltmp0, $4  }
0x22: {  	_ = 	snop  }
0x23: {  	s17 =	sadd.s32 $0x200, s17  }
0x24: {  	_ =	swait.ge [sflag:s8], $0x80  }
0x25: {  	[sflag:s8] =	ssyncset.done $0x0  }
0x26: {  	s16 =	sadd.s32 $0x1, s16  }
0x27: {  	[sflag:s8] =	ssyncadd.s32 $0xFFFFFF80;
	p0 =	sne.s32 s16, s7  }
.Ltmp1:
0x28: {  	[bflag:$0x0] =	sbarrier.arrive $0xFFFF;
	(pc) =	sbr.rel @p0 .LBB2_1-.Ltmp1, $4  }
0x29: {  	[hbm:s13@s14], [sflag:s10] =	dma.strided [spmem:s11@s15], $0x50, s8, $0x10   }
0x2a: {  	_ =	swait.ge [sflag:s8], $0x50  }
0x2b: {  	[sflag:s8] =	ssyncset.done $0x0  }
0x2c: {  	[sflag:s8] =	ssyncadd.s32 $0xFFFFFFB0  }
0x2d: {  	_ =	sfence.sel $0x180000  }
0x2e: {  	[bflag:$0x0] =	sbarrier.arrive $0xFFFF  }
0x2f: {  	p0 =	sne.s32 s2, $0x0;
	_ =	strace $0x90000047  }
0x30: {  	s0 =	sadd.s32 @!p0 $0x100000, s0;
	[bflag:$0x2] =	sbarrier.arrive $0xFFFF  }
0x31: {  	[sflag:s0] =	ssyncadd.tile.s32 @!p0 $0x1;
	_ =	shalt  }
.Lfunc_end2:
_tile_overlayer_lowered:
.L_overlay_start_2:
0x32: {  	(tag) =	ssettag $0x2  }
0x33: {  	s0 =	rddreg [dreg:$0x0];
	s2 =	stileid.u32  }
0x34: {  	s1 =	rddreg [dreg:$0x1];
	p0 =	sne.s32 s2, $0x0  }
0x35: {  	s3 =	rddreg [dreg:$0x2];
	[bflag:$0x3] =	sbarrier.arrive $0xFFFF;
	s2 =	simm.s32 @!p0 $0x1C01  }
0x36: {  	[timem:s3], [sflag:s2] =	dma.local @!p0 [hbm:s0], s1  }
0x37: {  	s0 =	simm.s32 @!p0 $0x1  }
0x38: {  	_ =	swait.ge @!p0 [sflag:s0], s1  }
0x39: {  	s1 =	ssub.s32 @!p0 $0x0, s1;
	[sflag:s0] =	ssyncset.done @!p0 $0x0  }
0x3a: {  	[sflag:s0] =	ssyncadd.s32 @!p0 s1  }
0x3b: {  	[bflag:$0x3] =	sbarrier.arrive $0xFFFF  }
0x3c: {  	_ =	shalt  }

</sc_bundles>
